<compile_context>
chip_gen: v7x
topology: tpu7x:2x2x1
jax: 0.10.2.dev20260603
libtpu: 0.0.44.dev20260713+nightly
codegen_flags: <defaults>
</compile_context>

<pallas_src>
import functools
import math

import jax
import jax.numpy as jnp
from jax import lax
from jax.experimental import pallas as pl
from jax.experimental.pallas import tpu as pltpu
from jax.experimental.pallas import tpu_sc as plsc

D = 128
SCALE = math.sqrt(128.0)
LANES = 16
NIN = 3
NOUT = 3
UNROLL = 3


def _sc_embed(idx3, lut, n_chunks, chunk, b_per_w):
    mesh = plsc.VectorSubcoreMesh(core_axis_name="c", subcore_axis_name="s")
    info = plsc.get_sparse_core_info()
    nc = info.num_cores
    B = idx3.shape[0] * idx3.shape[1] * idx3.shape[2]
    n_main = (n_chunks // UNROLL) * UNROLL

    @functools.partial(
        pl.kernel,
        mesh=mesh,
        out_type=jax.ShapeDtypeStruct((B, D), jnp.float32),
        scratch_types=[
            pltpu.VMEM((n_chunks, chunk), jnp.int32),
            pltpu.VMEM((chunk, D), jnp.float32),
            pltpu.VMEM((chunk, D), jnp.float32),
            pltpu.VMEM((chunk, D), jnp.float32),
            pltpu.VMEM((chunk, D), jnp.float32),
            pltpu.VMEM((chunk, D), jnp.float32),
            pltpu.VMEM((chunk, D), jnp.float32),
            pltpu.SemaphoreType.DMA,
            pltpu.SemaphoreType.DMA,
            pltpu.SemaphoreType.DMA,
            pltpu.SemaphoreType.DMA,
            pltpu.SemaphoreType.DMA,
            pltpu.SemaphoreType.DMA,
        ],
    )
    def k(idx_hbm, lut_hbm, out_hbm, idx_v,
          in0, in1, in2, ot0, ot1, ot2,
          gs0, gs1, gs2, os0, os1, os2):
        wid = lax.axis_index("s") * nc + lax.axis_index("c")
        pltpu.sync_copy(idx_hbm.at[wid], idx_v)
        base = wid * b_per_w
        ins = (in0, in1, in2)
        outs = (ot0, ot1, ot2)
        gsems = (gs0, gs1, gs2)
        osems = (os0, os1, os2)

        for b in range(NIN):
            pltpu.async_copy(lut_hbm.at[idx_v.at[b]], ins[b], gsems[b])

        def step(c, bi, bo):
            pltpu.make_async_copy(lut_hbm.at[idx_v.at[c]], ins[bi], gsems[bi]).wait()

            @pl.when(c >= NOUT)
            def _():
                pltpu.make_async_copy(
                    outs[bo], out_hbm.at[pl.ds(base, chunk)], osems[bo]
                ).wait()

            def row_body(r, carry2):
                for j in range(D // LANES):
                    sl = pl.ds(j * LANES, LANES)
                    outs[bo][r, sl] = ins[bi][r, sl] * SCALE
                return carry2

            lax.fori_loop(0, chunk, row_body, 0)

            @pl.when(c + NIN < n_chunks)
            def _():
                pltpu.async_copy(lut_hbm.at[idx_v.at[c + NIN]], ins[bi], gsems[bi])

            pltpu.async_copy(
                outs[bo], out_hbm.at[pl.ds(base + c * chunk, chunk)], osems[bo]
            )

        def outer(g, carry):
            for kk in range(UNROLL):
                c = g * UNROLL + kk
                step(c, kk % NIN, kk % NOUT)
            return carry

        lax.fori_loop(0, n_main // UNROLL, outer, 0)

        for c in range(n_main, n_chunks):
            step(c, (c % UNROLL) % NIN, (c % UNROLL) % NOUT)

        for bo in range(NOUT):
            pltpu.make_async_copy(
                outs[bo], out_hbm.at[pl.ds(base, chunk)], osems[bo]
            ).wait()

    return k(idx3, lut)


def kernel(x, lut):
    n_rows, n_cols = x.shape
    B = n_rows * n_cols
    nw = 32
    chunk = 128
    b_per_w = B // nw
    n_chunks = b_per_w // chunk
    idx3 = x.T.reshape(nw, n_chunks, chunk).astype(jnp.int32)
    out = _sc_embed(idx3, lut, n_chunks, chunk, b_per_w)
    return out.reshape(n_cols, n_rows, D).transpose(1, 0, 2)

# --- scband reference (transcript-rebuilt; emitter-appended) ---
"""Pipeline reference for scband-embeddings-83631603188024 (READ-ONLY COPY).

The authoritative reference and input builder live on the scoring server;
editing this copy changes nothing except your own understanding.
"""

import jax, jax.numpy as jnp
import numpy as np
import math

IN_FEATURES = 128
VOCAB = 100000

def setup_inputs(seed: int = 0) -> dict:
    key = jax.random.key(seed)
    k_idx, k_lut = jax.random.split(key)
    x = jax.random.randint(k_idx, (4096, 50), 0, VOCAB, dtype=jnp.int64 if jax.config.read('jax_enable_x64') else jnp.int32)
    lut = jax.random.normal(k_lut, (VOCAB, IN_FEATURES), dtype=jnp.float32)
    return {"x": x, "lut": lut}

def reference(x, lut):
    # Embedding lookup (gather) scaled by sqrt(in_features), matching
    # Embeddings.forward: self.lut(x) * math.sqrt(self.in_features)
    emb = jnp.take(lut, x, axis=0)
    return emb * math.sqrt(IN_FEATURES)

if __name__ == "__main__":
    import jax
    _d = setup_inputs()
    print(jax.jit(kernel)(*tuple(_d.values())))

</pallas_src>

<mosaic_0001>
#map = affine_map<(d0, d1) -> (0, 0, 0)>
#map1 = affine_map<(d0, d1) -> (0, 0)>
module attributes {stable_mosaic.version = 14 : i64} {
  func.func @k(%arg0: i32, %arg1: i32, %arg2: memref<32x50x128xi32, #tpu.memory_space<hbm>>, %arg3: memref<100000x128xf32, #tpu.memory_space<hbm>>, %arg4: memref<204800x128xf32, #tpu.memory_space<hbm>>, %arg5: memref<50x128xi32, #tpu.memory_space<vmem>>, %arg6: memref<128x128xf32, #tpu.memory_space<vmem>>, %arg7: memref<128x128xf32, #tpu.memory_space<vmem>>, %arg8: memref<128x128xf32, #tpu.memory_space<vmem>>, %arg9: memref<128x128xf32, #tpu.memory_space<vmem>>, %arg10: memref<128x128xf32, #tpu.memory_space<vmem>>, %arg11: memref<128x128xf32, #tpu.memory_space<vmem>>, %arg12: memref<!tpu.dma_semaphore, #tpu.memory_space<semaphore_mem>>, %arg13: memref<!tpu.dma_semaphore, #tpu.memory_space<semaphore_mem>>, %arg14: memref<!tpu.dma_semaphore, #tpu.memory_space<semaphore_mem>>, %arg15: memref<!tpu.dma_semaphore, #tpu.memory_space<semaphore_mem>>, %arg16: memref<!tpu.dma_semaphore, #tpu.memory_space<semaphore_mem>>, %arg17: memref<!tpu.dma_semaphore, #tpu.memory_space<semaphore_mem>>) attributes {dimension_semantics = [#tpu.dimension_semantics<core_parallel>, #tpu.dimension_semantics<subcore_parallel>], iteration_bounds = array<i64: 2, 16>, scalar_prefetch = 0 : i64, scratch_operands = 13 : i64, tpu.core_type = #tpu.core_type<sc_vector_subcore>, window_params = [{transform_indices = #map}, {transform_indices = #map1}, {transform_indices = #map1}]} {
    %mul3A = arith.constant 2 : i32
    %mul3A_0 = arith.muli %arg1, %mul3A : i32
    %add3A = arith.addi %mul3A_0, %arg0 : i32
    "tpu.region"() ({
      %run_scoped3A = tpu.sem_alloc : memref<!tpu.dma_semaphore, #tpu.memory_space<semaphore_mem>>
      %dma_start3A_85 = arith.constant 0 : i32
      %dma_start3A_86 = arith.constant 0 : i32
      %dma_start3A_87 = tpu.memref_slice %arg2[%add3A, %dma_start3A_85, %dma_start3A_86] : memref<32x50x128xi32, #tpu.memory_space<hbm>> -> memref<1x50x128xi32, #tpu.memory_space<hbm>>
      %dma_start3A_88 = tpu.memref_squeeze %dma_start3A_87 : memref<1x50x128xi32, #tpu.memory_space<hbm>> -> memref<50x128xi32, #tpu.memory_space<hbm>>
      %dma_start3A_89 = arith.constant 0 : i32
      %dma_start3A_90 = arith.constant 0 : i32
      %dma_start3A_91 = tpu.memref_slice %arg2[%add3A, %dma_start3A_89, %dma_start3A_90] : memref<32x50x128xi32, #tpu.memory_space<hbm>> -> memref<1x50x128xi32, #tpu.memory_space<hbm>>
      %dma_start3A_92 = tpu.memref_squeeze %dma_start3A_91 : memref<1x50x128xi32, #tpu.memory_space<hbm>> -> memref<50x128xi32, #tpu.memory_space<hbm>>
      tpu.enqueue_dma source(%dma_start3A_92 : memref<50x128xi32, #tpu.memory_space<hbm>>) target(%arg5 : memref<50x128xi32, #tpu.memory_space<vmem>>) target_semaphore(%run_scoped3A : memref<!tpu.dma_semaphore, #tpu.memory_space<semaphore_mem>>)
      %dma_wait3A_93 = arith.constant 0 : i32
      %dma_wait3A_94 = arith.constant 0 : i32
      %dma_wait3A_95 = tpu.memref_slice %arg2[%add3A, %dma_wait3A_93, %dma_wait3A_94] : memref<32x50x128xi32, #tpu.memory_space<hbm>> -> memref<1x50x128xi32, #tpu.memory_space<hbm>>
      %dma_wait3A_96 = tpu.memref_squeeze %dma_wait3A_95 : memref<1x50x128xi32, #tpu.memory_space<hbm>> -> memref<50x128xi32, #tpu.memory_space<hbm>>
      %dma_wait3A_97 = arith.constant 0 : i32
      %dma_wait3A_98 = arith.constant 0 : i32
      %dma_wait3A_99 = tpu.memref_slice %arg2[%add3A, %dma_wait3A_97, %dma_wait3A_98] : memref<32x50x128xi32, #tpu.memory_space<hbm>> -> memref<1x50x128xi32, #tpu.memory_space<hbm>>
      %dma_wait3A_100 = tpu.memref_squeeze %dma_wait3A_99 : memref<1x50x128xi32, #tpu.memory_space<hbm>> -> memref<50x128xi32, #tpu.memory_space<hbm>>
      tpu.wait_dma2 semaphore(%run_scoped3A : memref<!tpu.dma_semaphore, #tpu.memory_space<semaphore_mem>>) src(%dma_wait3A_100 : memref<50x128xi32, #tpu.memory_space<hbm>>) dst(%arg5 : memref<50x128xi32, #tpu.memory_space<vmem>>)
      tpu.yield
    }) : () -> ()
    %mul3A_1 = arith.constant 6400 : i32
    %mul3A_2 = arith.muli %add3A, %mul3A_1 : i32
    %dma_start3A = arith.constant 0 : i32
    %dma_start3A_3 = arith.constant 0 : i32
    %dma_start3A_4 = tpu.memref_slice %arg5[%dma_start3A, %dma_start3A_3] : memref<50x128xi32, #tpu.memory_space<vmem>> -> memref<1x128xi32, #tpu.memory_space<vmem>>
    %dma_start3A_5 = tpu.memref_squeeze %dma_start3A_4 : memref<1x128xi32, #tpu.memory_space<vmem>> -> memref<128xi32, #tpu.memory_space<vmem>>
    %dma_start3A_6 = arith.constant 0 : i32
    %dma_start3A_7 = arith.constant 0 : i32
    %dma_start3A_8 = tpu.memref_slice %arg3[%dma_start3A_6, %dma_start3A_7] : memref<100000x128xf32, #tpu.memory_space<hbm>> -> memref<100000x128xf32, #tpu.memory_space<hbm>>
    tpu.enqueue_indirect_dma source(%dma_start3A_8 : memref<100000x128xf32, #tpu.memory_space<hbm>>) target(%arg6 : memref<128x128xf32, #tpu.memory_space<vmem>>) offsets(%dma_start3A_5 : memref<128xi32, #tpu.memory_space<vmem>>) semaphore(%arg12 : memref<!tpu.dma_semaphore, #tpu.memory_space<semaphore_mem>>)
    %dma_start3A_9 = arith.constant 1 : i32
    %dma_start3A_10 = arith.constant 0 : i32
    %dma_start3A_11 = tpu.memref_slice %arg5[%dma_start3A_9, %dma_start3A_10] : memref<50x128xi32, #tpu.memory_space<vmem>> -> memref<1x128xi32, #tpu.memory_space<vmem>>
    %dma_start3A_12 = tpu.memref_squeeze %dma_start3A_11 : memref<1x128xi32, #tpu.memory_space<vmem>> -> memref<128xi32, #tpu.memory_space<vmem>>
    %dma_start3A_13 = arith.constant 0 : i32
    %dma_start3A_14 = arith.constant 0 : i32
    %dma_start3A_15 = tpu.memref_slice %arg3[%dma_start3A_13, %dma_start3A_14] : memref<100000x128xf32, #tpu.memory_space<hbm>> -> memref<100000x128xf32, #tpu.memory_space<hbm>>
    tpu.enqueue_indirect_dma source(%dma_start3A_15 : memref<100000x128xf32, #tpu.memory_space<hbm>>) target(%arg7 : memref<128x128xf32, #tpu.memory_space<vmem>>) offsets(%dma_start3A_12 : memref<128xi32, #tpu.memory_space<vmem>>) semaphore(%arg13 : memref<!tpu.dma_semaphore, #tpu.memory_space<semaphore_mem>>)
    %dma_start3A_16 = arith.constant 2 : i32
    %dma_start3A_17 = arith.constant 0 : i32
    %dma_start3A_18 = tpu.memref_slice %arg5[%dma_start3A_16, %dma_start3A_17] : memref<50x128xi32, #tpu.memory_space<vmem>> -> memref<1x128xi32, #tpu.memory_space<vmem>>
    %dma_start3A_19 = tpu.memref_squeeze %dma_start3A_18 : memref<1x128xi32, #tpu.memory_space<vmem>> -> memref<128xi32, #tpu.memory_space<vmem>>
    %dma_start3A_20 = arith.constant 0 : i32
    %dma_start3A_21 = arith.constant 0 : i32
    %dma_start3A_22 = tpu.memref_slice %arg3[%dma_start3A_20, %dma_start3A_21] : memref<100000x128xf32, #tpu.memory_space<hbm>> -> memref<100000x128xf32, #tpu.memory_space<hbm>>
    tpu.enqueue_indirect_dma source(%dma_start3A_22 : memref<100000x128xf32, #tpu.memory_space<hbm>>) target(%arg8 : memref<128x128xf32, #tpu.memory_space<vmem>>) offsets(%dma_start3A_19 : memref<128xi32, #tpu.memory_space<vmem>>) semaphore(%arg14 : memref<!tpu.dma_semaphore, #tpu.memory_space<semaphore_mem>>)
    %scan3A = arith.constant 0 : i32
    %scan3A_23 = arith.constant 0 : i32
    %scan3A_24 = arith.constant 16 : i32
    %scan3A_25 = arith.addi %scan3A_23, %scan3A_24 : i32
    %scan3A_26 = arith.constant 1 : i32
    scf.for %scan3A_85 = %scan3A_23 to %scan3A_25 step %scan3A_26  : i32 {
      %mul3A_86 = arith.constant 3 : i32
      %mul3A_87 = arith.muli %scan3A_85, %mul3A_86 : i32
      %add3A_88 = arith.constant 0 : i32
      %add3A_89 = arith.addi %mul3A_87, %add3A_88 : i32
      %dma_wait3A_90 = arith.constant 0 : i32
      %dma_wait3A_91 = tpu.memref_slice %arg5[%add3A_89, %dma_wait3A_90] : memref<50x128xi32, #tpu.memory_space<vmem>> -> memref<1x128xi32, #tpu.memory_space<vmem>>
      %dma_wait3A_92 = tpu.memref_squeeze %dma_wait3A_91 : memref<1x128xi32, #tpu.memory_space<vmem>> -> memref<128xi32, #tpu.memory_space<vmem>>
      %dma_wait3A_93 = arith.constant 0 : i32
      %dma_wait3A_94 = arith.constant 0 : i32
      %dma_wait3A_95 = tpu.memref_slice %arg3[%dma_wait3A_93, %dma_wait3A_94] : memref<100000x128xf32, #tpu.memory_space<hbm>> -> memref<100000x128xf32, #tpu.memory_space<hbm>>
      tpu.wait_indirect_dma semaphore(%arg12 : memref<!tpu.dma_semaphore, #tpu.memory_space<semaphore_mem>>) src(%dma_wait3A_95 : memref<100000x128xf32, #tpu.memory_space<hbm>>) dst(%arg6 : memref<128x128xf32, #tpu.memory_space<vmem>>)
      %ge3A = arith.constant 3 : i32
      %ge3A_96 = arith.cmpi sge, %add3A_89, %ge3A : i32
      %convert_element_type3A = arith.extui %ge3A_96 : i1 to i32
      %cond3A = arith.constant 0 : i32
      %cond3A_97 = arith.cmpi ne, %convert_element_type3A, %cond3A : i32
      scf.if %cond3A_97 {
        %dma_wait3A_187 = arith.constant 0 : i32
        %dma_wait3A_188 = tpu.memref_slice %arg4[%mul3A_2, %dma_wait3A_187] : memref<204800x128xf32, #tpu.memory_space<hbm>> -> memref<128x128xf32, #tpu.memory_space<hbm>>
        %dma_wait3A_189 = arith.constant 0 : i32
        %dma_wait3A_190 = tpu.memref_slice %arg4[%mul3A_2, %dma_wait3A_189] : memref<204800x128xf32, #tpu.memory_space<hbm>> -> memref<128x128xf32, #tpu.memory_space<hbm>>
        tpu.wait_dma2 semaphore(%arg15 : memref<!tpu.dma_semaphore, #tpu.memory_space<semaphore_mem>>) src(%arg9 : memref<128x128xf32, #tpu.memory_space<vmem>>) dst(%dma_wait3A_190 : memref<128x128xf32, #tpu.memory_space<hbm>>)
      } else {
      }
      %scan3A_98 = arith.constant 0 : i32
      %scan3A_99 = arith.constant 0 : i32
      %scan3A_100 = arith.constant 128 : i32
      %scan3A_101 = arith.addi %scan3A_99, %scan3A_100 : i32
      %scan3A_102 = arith.constant 1 : i32
      scf.for %scan3A_187 = %scan3A_99 to %scan3A_101 step %scan3A_102  : i32 {
        %get3A = arith.index_cast %scan3A_187 : i32 to index
        %get3A_188 = arith.constant 0 : index
        %get3A_189 = tpu.vector_load %arg6[%get3A, %get3A_188] {strides = array<i32>} : memref<128x128xf32, #tpu.memory_space<vmem>>, vector<1x16xf32>,
        %get3A_190 = vector.shape_cast %get3A_189 : vector<1x16xf32> to vector<16xf32>
        %mul3A_191 = arith.constant 11.3137083 : f32
        %mul3A_192 = vector.broadcast %mul3A_191 : f32 to vector<16xf32>
        %mul3A_193 = arith.mulf %get3A_190, %mul3A_192 : vector<16xf32>
        %swap3A = arith.index_cast %scan3A_187 : i32 to index
        %swap3A_194 = arith.constant 0 : index
        %swap3A_195 = tpu.vector_load %arg9[%swap3A, %swap3A_194] {strides = array<i32>} : memref<128x128xf32, #tpu.memory_space<vmem>>, vector<1x16xf32>,
        %swap3A_196 = vector.shape_cast %swap3A_195 : vector<1x16xf32> to vector<16xf32>
        %swap3A_197 = vector.shape_cast %mul3A_193 : vector<16xf32> to vector<1x16xf32>
        tpu.vector_store %arg9[%swap3A, %swap3A_194], %swap3A_197 {strides = array<i32>} : memref<128x128xf32, #tpu.memory_space<vmem>>, vector<1x16xf32>,
        %get3A_198 = arith.index_cast %scan3A_187 : i32 to index
        %get3A_199 = arith.constant 16 : index
        %get3A_200 = tpu.vector_load %arg6[%get3A_198, %get3A_199] {strides = array<i32>} : memref<128x128xf32, #tpu.memory_space<vmem>>, vector<1x16xf32>,
        %get3A_201 = vector.shape_cast %get3A_200 : vector<1x16xf32> to vector<16xf32>
        %mul3A_202 = arith.constant 11.3137083 : f32
        %mul3A_203 = vector.broadcast %mul3A_202 : f32 to vector<16xf32>
        %mul3A_204 = arith.mulf %get3A_201, %mul3A_203 : vector<16xf32>
        %swap3A_205 = arith.index_cast %scan3A_187 : i32 to index
        %swap3A_206 = arith.constant 16 : index
        %swap3A_207 = tpu.vector_load %arg9[%swap3A_205, %swap3A_206] {strides = array<i32>} : memref<128x128xf32, #tpu.memory_space<vmem>>, vector<1x16xf32>,
        %swap3A_208 = vector.shape_cast %swap3A_207 : vector<1x16xf32> to vector<16xf32>
        %swap3A_209 = vector.shape_cast %mul3A_204 : vector<16xf32> to vector<1x16xf32>
        tpu.vector_store %arg9[%swap3A_205, %swap3A_206], %swap3A_209 {strides = array<i32>} : memref<128x128xf32, #tpu.memory_space<vmem>>, vector<1x16xf32>,
        %get3A_210 = arith.index_cast %scan3A_187 : i32 to index
        %get3A_211 = arith.constant 32 : index
        %get3A_212 = tpu.vector_load %arg6[%get3A_210, %get3A_211] {strides = array<i32>} : memref<128x128xf32, #tpu.memory_space<vmem>>, vector<1x16xf32>,
        %get3A_213 = vector.shape_cast %get3A_212 : vector<1x16xf32> to vector<16xf32>
        %mul3A_214 = arith.constant 11.3137083 : f32
        %mul3A_215 = vector.broadcast %mul3A_214 : f32 to vector<16xf32>
        %mul3A_216 = arith.mulf %get3A_213, %mul3A_215 : vector<16xf32>
        %swap3A_217 = arith.index_cast %scan3A_187 : i32 to index
        %swap3A_218 = arith.constant 32 : index
        %swap3A_219 = tpu.vector_load %arg9[%swap3A_217, %swap3A_218] {strides = array<i32>} : memref<128x128xf32, #tpu.memory_space<vmem>>, vector<1x16xf32>,
        %swap3A_220 = vector.shape_cast %swap3A_219 : vector<1x16xf32> to vector<16xf32>
        %swap3A_221 = vector.shape_cast %mul3A_216 : vector<16xf32> to vector<1x16xf32>
        tpu.vector_store %arg9[%swap3A_217, %swap3A_218], %swap3A_221 {strides = array<i32>} : memref<128x128xf32, #tpu.memory_space<vmem>>, vector<1x16xf32>,
        %get3A_222 = arith.index_cast %scan3A_187 : i32 to index
        %get3A_223 = arith.constant 48 : index
        %get3A_224 = tpu.vector_load %arg6[%get3A_222, %get3A_223] {strides = array<i32>} : memref<128x128xf32, #tpu.memory_space<vmem>>, vector<1x16xf32>,
        %get3A_225 = vector.shape_cast %get3A_224 : vector<1x16xf32> to vector<16xf32>
        %mul3A_226 = arith.constant 11.3137083 : f32
        %mul3A_227 = vector.broadcast %mul3A_226 : f32 to vector<16xf32>
        %mul3A_228 = arith.mulf %get3A_225, %mul3A_227 : vector<16xf32>
        %swap3A_229 = arith.index_cast %scan3A_187 : i32 to index
        %swap3A_230 = arith.constant 48 : index
        %swap3A_231 = tpu.vector_load %arg9[%swap3A_229, %swap3A_230] {strides = array<i32>} : memref<128x128xf32, #tpu.memory_space<vmem>>, vector<1x16xf32>,
        %swap3A_232 = vector.shape_cast %swap3A_231 : vector<1x16xf32> to vector<16xf32>
        %swap3A_233 = vector.shape_cast %mul3A_228 : vector<16xf32> to vector<1x16xf32>
        tpu.vector_store %arg9[%swap3A_229, %swap3A_230], %swap3A_233 {strides = array<i32>} : memref<128x128xf32, #tpu.memory_space<vmem>>, vector<1x16xf32>,
        %get3A_234 = arith.index_cast %scan3A_187 : i32 to index
        %get3A_235 = arith.constant 64 : index
        %get3A_236 = tpu.vector_load %arg6[%get3A_234, %get3A_235] {strides = array<i32>} : memref<128x128xf32, #tpu.memory_space<vmem>>, vector<1x16xf32>,
        %get3A_237 = vector.shape_cast %get3A_236 : vector<1x16xf32> to vector<16xf32>
        %mul3A_238 = arith.constant 11.3137083 : f32
        %mul3A_239 = vector.broadcast %mul3A_238 : f32 to vector<16xf32>
        %mul3A_240 = arith.mulf %get3A_237, %mul3A_239 : vector<16xf32>
        %swap3A_241 = arith.index_cast %scan3A_187 : i32 to index
        %swap3A_242 = arith.constant 64 : index
        %swap3A_243 = tpu.vector_load %arg9[%swap3A_241, %swap3A_242] {strides = array<i32>} : memref<128x128xf32, #tpu.memory_space<vmem>>, vector<1x16xf32>,
        %swap3A_244 = vector.shape_cast %swap3A_243 : vector<1x16xf32> to vector<16xf32>
        %swap3A_245 = vector.shape_cast %mul3A_240 : vector<16xf32> to vector<1x16xf32>
        tpu.vector_store %arg9[%swap3A_241, %swap3A_242], %swap3A_245 {strides = array<i32>} : memref<128x128xf32, #tpu.memory_space<vmem>>, vector<1x16xf32>,
        %get3A_246 = arith.index_cast %scan3A_187 : i32 to index
        %get3A_247 = arith.constant 80 : index
        %get3A_248 = tpu.vector_load %arg6[%get3A_246, %get3A_247] {strides = array<i32>} : memref<128x128xf32, #tpu.memory_space<vmem>>, vector<1x16xf32>,
        %get3A_249 = vector.shape_cast %get3A_248 : vector<1x16xf32> to vector<16xf32>
        %mul3A_250 = arith.constant 11.3137083 : f32
        %mul3A_251 = vector.broadcast %mul3A_250 : f32 to vector<16xf32>
        %mul3A_252 = arith.mulf %get3A_249, %mul3A_251 : vector<16xf32>
        %swap3A_253 = arith.index_cast %scan3A_187 : i32 to index
        %swap3A_254 = arith.constant 80 : index
        %swap3A_255 = tpu.vector_load %arg9[%swap3A_253, %swap3A_254] {strides = array<i32>} : memref<128x128xf32, #tpu.memory_space<vmem>>, vector<1x16xf32>,
        %swap3A_256 = vector.shape_cast %swap3A_255 : vector<1x16xf32> to vector<16xf32>
        %swap3A_257 = vector.shape_cast %mul3A_252 : vector<16xf32> to vector<1x16xf32>
        tpu.vector_store %arg9[%swap3A_253, %swap3A_254], %swap3A_257 {strides = array<i32>} : memref<128x128xf32, #tpu.memory_space<vmem>>, vector<1x16xf32>,
        %get3A_258 = arith.index_cast %scan3A_187 : i32 to index
        %get3A_259 = arith.constant 96 : index
        %get3A_260 = tpu.vector_load %arg6[%get3A_258, %get3A_259] {strides = array<i32>} : memref<128x128xf32, #tpu.memory_space<vmem>>, vector<1x16xf32>,
        %get3A_261 = vector.shape_cast %get3A_260 : vector<1x16xf32> to vector<16xf32>
        %mul3A_262 = arith.constant 11.3137083 : f32
        %mul3A_263 = vector.broadcast %mul3A_262 : f32 to vector<16xf32>
        %mul3A_264 = arith.mulf %get3A_261, %mul3A_263 : vector<16xf32>
        %swap3A_265 = arith.index_cast %scan3A_187 : i32 to index
        %swap3A_266 = arith.constant 96 : index
        %swap3A_267 = tpu.vector_load %arg9[%swap3A_265, %swap3A_266] {strides = array<i32>} : memref<128x128xf32, #tpu.memory_space<vmem>>, vector<1x16xf32>,
        %swap3A_268 = vector.shape_cast %swap3A_267 : vector<1x16xf32> to vector<16xf32>
        %swap3A_269 = vector.shape_cast %mul3A_264 : vector<16xf32> to vector<1x16xf32>
        tpu.vector_store %arg9[%swap3A_265, %swap3A_266], %swap3A_269 {strides = array<i32>} : memref<128x128xf32, #tpu.memory_space<vmem>>, vector<1x16xf32>,
        %get3A_270 = arith.index_cast %scan3A_187 : i32 to index
        %get3A_271 = arith.constant 112 : index
        %get3A_272 = tpu.vector_load %arg6[%get3A_270, %get3A_271] {strides = array<i32>} : memref<128x128xf32, #tpu.memory_space<vmem>>, vector<1x16xf32>,
        %get3A_273 = vector.shape_cast %get3A_272 : vector<1x16xf32> to vector<16xf32>
        %mul3A_274 = arith.constant 11.3137083 : f32
        %mul3A_275 = vector.broadcast %mul3A_274 : f32 to vector<16xf32>
        %mul3A_276 = arith.mulf %get3A_273, %mul3A_275 : vector<16xf32>
        %swap3A_277 = arith.index_cast %scan3A_187 : i32 to index
        %swap3A_278 = arith.constant 112 : index
        %swap3A_279 = tpu.vector_load %arg9[%swap3A_277, %swap3A_278] {strides = array<i32>} : memref<128x128xf32, #tpu.memory_space<vmem>>, vector<1x16xf32>,
        %swap3A_280 = vector.shape_cast %swap3A_279 : vector<1x16xf32> to vector<16xf32>
        %swap3A_281 = vector.shape_cast %mul3A_276 : vector<16xf32> to vector<1x16xf32>
        tpu.vector_store %arg9[%swap3A_277, %swap3A_278], %swap3A_281 {strides = array<i32>} : memref<128x128xf32, #tpu.memory_space<vmem>>, vector<1x16xf32>,
      }
      %scan3A_103 = arith.constant 128 : i32
      %add3A_104 = arith.constant 3 : i32
      %add3A_105 = arith.addi %add3A_89, %add3A_104 : i32
      %lt3A = arith.constant 50 : i32
      %lt3A_106 = arith.cmpi slt, %add3A_105, %lt3A : i32
      %convert_element_type3A_107 = arith.extui %lt3A_106 : i1 to i32
      %cond3A_108 = arith.constant 0 : i32
      %cond3A_109 = arith.cmpi ne, %convert_element_type3A_107, %cond3A_108 : i32
      scf.if %cond3A_109 {
        %add3A_187 = arith.constant 3 : i32
        %add3A_188 = arith.addi %add3A_89, %add3A_187 : i32
        %dma_start3A_189 = arith.constant 0 : i32
        %dma_start3A_190 = tpu.memref_slice %arg5[%add3A_188, %dma_start3A_189] : memref<50x128xi32, #tpu.memory_space<vmem>> -> memref<1x128xi32, #tpu.memory_space<vmem>>
        %dma_start3A_191 = tpu.memref_squeeze %dma_start3A_190 : memref<1x128xi32, #tpu.memory_space<vmem>> -> memref<128xi32, #tpu.memory_space<vmem>>
        %dma_start3A_192 = arith.constant 0 : i32
        %dma_start3A_193 = arith.constant 0 : i32
        %dma_start3A_194 = tpu.memref_slice %arg3[%dma_start3A_192, %dma_start3A_193] : memref<100000x128xf32, #tpu.memory_space<hbm>> -> memref<100000x128xf32, #tpu.memory_space<hbm>>
        tpu.enqueue_indirect_dma source(%dma_start3A_194 : memref<100000x128xf32, #tpu.memory_space<hbm>>) target(%arg6 : memref<128x128xf32, #tpu.memory_space<vmem>>) offsets(%dma_start3A_191 : memref<128xi32, #tpu.memory_space<vmem>>) semaphore(%arg12 : memref<!tpu.dma_semaphore, #tpu.memory_space<semaphore_mem>>)
      } else {
      }
      %mul3A_110 = arith.constant 128 : i32
      %mul3A_111 = arith.muli %add3A_89, %mul3A_110 : i32
      %add3A_112 = arith.addi %mul3A_2, %mul3A_111 : i32
      %dma_start3A_113 = arith.constant 0 : i32
      %dma_start3A_114 = tpu.memref_slice %arg4[%add3A_112, %dma_start3A_113] : memref<204800x128xf32, #tpu.memory_space<hbm>> -> memref<128x128xf32, #tpu.memory_space<hbm>>
      %dma_start3A_115 = arith.constant 0 : i32
      %dma_start3A_116 = tpu.memref_slice %arg4[%add3A_112, %dma_start3A_115] : memref<204800x128xf32, #tpu.memory_space<hbm>> -> memref<128x128xf32, #tpu.memory_space<hbm>>
      tpu.enqueue_dma source(%arg9 : memref<128x128xf32, #tpu.memory_space<vmem>>) target(%dma_start3A_116 : memref<128x128xf32, #tpu.memory_space<hbm>>) target_semaphore(%arg15 : memref<!tpu.dma_semaphore, #tpu.memory_space<semaphore_mem>>)
      %mul3A_117 = arith.constant 3 : i32
      %mul3A_118 = arith.muli %scan3A_85, %mul3A_117 : i32
      %add3A_119 = arith.constant 1 : i32
      %add3A_120 = arith.addi %mul3A_118, %add3A_119 : i32
      %dma_wait3A_121 = arith.constant 0 : i32
      %dma_wait3A_122 = tpu.memref_slice %arg5[%add3A_120, %dma_wait3A_121] : memref<50x128xi32, #tpu.memory_space<vmem>> -> memref<1x128xi32, #tpu.memory_space<vmem>>
      %dma_wait3A_123 = tpu.memref_squeeze %dma_wait3A_122 : memref<1x128xi32, #tpu.memory_space<vmem>> -> memref<128xi32, #tpu.memory_space<vmem>>
      %dma_wait3A_124 = arith.constant 0 : i32
      %dma_wait3A_125 = arith.constant 0 : i32
      %dma_wait3A_126 = tpu.memref_slice %arg3[%dma_wait3A_124, %dma_wait3A_125] : memref<100000x128xf32, #tpu.memory_space<hbm>> -> memref<100000x128xf32, #tpu.memory_space<hbm>>
      tpu.wait_indirect_dma semaphore(%arg13 : memref<!tpu.dma_semaphore, #tpu.memory_space<semaphore_mem>>) src(%dma_wait3A_126 : memref<100000x128xf32, #tpu.memory_space<hbm>>) dst(%arg7 : memref<128x128xf32, #tpu.memory_space<vmem>>)
      %ge3A_127 = arith.constant 3 : i32
      %ge3A_128 = arith.cmpi sge, %add3A_120, %ge3A_127 : i32
      %convert_element_type3A_129 = arith.extui %ge3A_128 : i1 to i32
      %cond3A_130 = arith.constant 0 : i32
      %cond3A_131 = arith.cmpi ne, %convert_element_type3A_129, %cond3A_130 : i32
      scf.if %cond3A_131 {
        %dma_wait3A_187 = arith.constant 0 : i32
        %dma_wait3A_188 = tpu.memref_slice %arg4[%mul3A_2, %dma_wait3A_187] : memref<204800x128xf32, #tpu.memory_space<hbm>> -> memref<128x128xf32, #tpu.memory_space<hbm>>
        %dma_wait3A_189 = arith.constant 0 : i32
        %dma_wait3A_190 = tpu.memref_slice %arg4[%mul3A_2, %dma_wait3A_189] : memref<204800x128xf32, #tpu.memory_space<hbm>> -> memref<128x128xf32, #tpu.memory_space<hbm>>
        tpu.wait_dma2 semaphore(%arg16 : memref<!tpu.dma_semaphore, #tpu.memory_space<semaphore_mem>>) src(%arg10 : memref<128x128xf32, #tpu.memory_space<vmem>>) dst(%dma_wait3A_190 : memref<128x128xf32, #tpu.memory_space<hbm>>)
      } else {
      }
      %scan3A_132 = arith.constant 0 : i32
      %scan3A_133 = arith.constant 0 : i32
      %scan3A_134 = arith.constant 128 : i32
      %scan3A_135 = arith.addi %scan3A_133, %scan3A_134 : i32
      %scan3A_136 = arith.constant 1 : i32
      scf.for %scan3A_187 = %scan3A_133 to %scan3A_135 step %scan3A_136  : i32 {
        %get3A = arith.index_cast %scan3A_187 : i32 to index
        %get3A_188 = arith.constant 0 : index
        %get3A_189 = tpu.vector_load %arg7[%get3A, %get3A_188] {strides = array<i32>} : memref<128x128xf32, #tpu.memory_space<vmem>>, vector<1x16xf32>,
        %get3A_190 = vector.shape_cast %get3A_189 : vector<1x16xf32> to vector<16xf32>
        %mul3A_191 = arith.constant 11.3137083 : f32
        %mul3A_192 = vector.broadcast %mul3A_191 : f32 to vector<16xf32>
        %mul3A_193 = arith.mulf %get3A_190, %mul3A_192 : vector<16xf32>
        %swap3A = arith.index_cast %scan3A_187 : i32 to index
        %swap3A_194 = arith.constant 0 : index
        %swap3A_195 = tpu.vector_load %arg10[%swap3A, %swap3A_194] {strides = array<i32>} : memref<128x128xf32, #tpu.memory_space<vmem>>, vector<1x16xf32>,
        %swap3A_196 = vector.shape_cast %swap3A_195 : vector<1x16xf32> to vector<16xf32>
        %swap3A_197 = vector.shape_cast %mul3A_193 : vector<16xf32> to vector<1x16xf32>
        tpu.vector_store %arg10[%swap3A, %swap3A_194], %swap3A_197 {strides = array<i32>} : memref<128x128xf32, #tpu.memory_space<vmem>>, vector<1x16xf32>,
        %get3A_198 = arith.index_cast %scan3A_187 : i32 to index
        %get3A_199 = arith.constant 16 : index
        %get3A_200 = tpu.vector_load %arg7[%get3A_198, %get3A_199] {strides = array<i32>} : memref<128x128xf32, #tpu.memory_space<vmem>>, vector<1x16xf32>,
        %get3A_201 = vector.shape_cast %get3A_200 : vector<1x16xf32> to vector<16xf32>
        %mul3A_202 = arith.constant 11.3137083 : f32
        %mul3A_203 = vector.broadcast %mul3A_202 : f32 to vector<16xf32>
        %mul3A_204 = arith.mulf %get3A_201, %mul3A_203 : vector<16xf32>
        %swap3A_205 = arith.index_cast %scan3A_187 : i32 to index
        %swap3A_206 = arith.constant 16 : index
        %swap3A_207 = tpu.vector_load %arg10[%swap3A_205, %swap3A_206] {strides = array<i32>} : memref<128x128xf32, #tpu.memory_space<vmem>>, vector<1x16xf32>,
        %swap3A_208 = vector.shape_cast %swap3A_207 : vector<1x16xf32> to vector<16xf32>
        %swap3A_209 = vector.shape_cast %mul3A_204 : vector<16xf32> to vector<1x16xf32>
        tpu.vector_store %arg10[%swap3A_205, %swap3A_206], %swap3A_209 {strides = array<i32>} : memref<128x128xf32, #tpu.memory_space<vmem>>, vector<1x16xf32>,
        %get3A_210 = arith.index_cast %scan3A_187 : i32 to index
        %get3A_211 = arith.constant 32 : index
        %get3A_212 = tpu.vector_load %arg7[%get3A_210, %get3A_211] {strides = array<i32>} : memref<128x128xf32, #tpu.memory_space<vmem>>, vector<1x16xf32>,
        %get3A_213 = vector.shape_cast %get3A_212 : vector<1x16xf32> to vector<16xf32>
        %mul3A_214 = arith.constant 11.3137083 : f32
        %mul3A_215 = vector.broadcast %mul3A_214 : f32 to vector<16xf32>
        %mul3A_216 = arith.mulf %get3A_213, %mul3A_215 : vector<16xf32>
        %swap3A_217 = arith.index_cast %scan3A_187 : i32 to index
        %swap3A_218 = arith.constant 32 : index
        %swap3A_219 = tpu.vector_load %arg10[%swap3A_217, %swap3A_218] {strides = array<i32>} : memref<128x128xf32, #tpu.memory_space<vmem>>, vector<1x16xf32>,
        %swap3A_220 = vector.shape_cast %swap3A_219 : vector<1x16xf32> to vector<16xf32>
        %swap3A_221 = vector.shape_cast %mul3A_216 : vector<16xf32> to vector<1x16xf32>
        tpu.vector_store %arg10[%swap3A_217, %swap3A_218], %swap3A_221 {strides = array<i32>} : memref<128x128xf32, #tpu.memory_space<vmem>>, vector<1x16xf32>,
        %get3A_222 = arith.index_cast %scan3A_187 : i32 to index
        %get3A_223 = arith.constant 48 : index
        %get3A_224 = tpu.vector_load %arg7[%get3A_222, %get3A_223] {strides = array<i32>} : memref<128x128xf32, #tpu.memory_space<vmem>>, vector<1x16xf32>,
        %get3A_225 = vector.shape_cast %get3A_224 : vector<1x16xf32> to vector<16xf32>
        %mul3A_226 = arith.constant 11.3137083 : f32
        %mul3A_227 = vector.broadcast %mul3A_226 : f32 to vector<16xf32>
        %mul3A_228 = arith.mulf %get3A_225, %mul3A_227 : vector<16xf32>
        %swap3A_229 = arith.index_cast %scan3A_187 : i32 to index
        %swap3A_230 = arith.constant 48 : index
        %swap3A_231 = tpu.vector_load %arg10[%swap3A_229, %swap3A_230] {strides = array<i32>} : memref<128x128xf32, #tpu.memory_space<vmem>>, vector<1x16xf32>,
        %swap3A_232 = vector.shape_cast %swap3A_231 : vector<1x16xf32> to vector<16xf32>
        %swap3A_233 = vector.shape_cast %mul3A_228 : vector<16xf32> to vector<1x16xf32>
        tpu.vector_store %arg10[%swap3A_229, %swap3A_230], %swap3A_233 {strides = array<i32>} : memref<128x128xf32, #tpu.memory_space<vmem>>, vector<1x16xf32>,
        %get3A_234 = arith.index_cast %scan3A_187 : i32 to index
        %get3A_235 = arith.constant 64 : index
        %get3A_236 = tpu.vector_load %arg7[%get3A_234, %get3A_235] {strides = array<i32>} : memref<128x128xf32, #tpu.memory_space<vmem>>, vector<1x16xf32>,
        %get3A_237 = vector.shape_cast %get3A_236 : vector<1x16xf32> to vector<16xf32>
        %mul3A_238 = arith.constant 11.3137083 : f32
        %mul3A_239 = vector.broadcast %mul3A_238 : f32 to vector<16xf32>
        %mul3A_240 = arith.mulf %get3A_237, %mul3A_239 : vector<16xf32>
        %swap3A_241 = arith.index_cast %scan3A_187 : i32 to index
        %swap3A_242 = arith.constant 64 : index
        %swap3A_243 = tpu.vector_load %arg10[%swap3A_241, %swap3A_242] {strides = array<i32>} : memref<128x128xf32, #tpu.memory_space<vmem>>, vector<1x16xf32>,
        %swap3A_244 = vector.shape_cast %swap3A_243 : vector<1x16xf32> to vector<16xf32>
        %swap3A_245 = vector.shape_cast %mul3A_240 : vector<16xf32> to vector<1x16xf32>
        tpu.vector_store %arg10[%swap3A_241, %swap3A_242], %swap3A_245 {strides = array<i32>} : memref<128x128xf32, #tpu.memory_space<vmem>>, vector<1x16xf32>,
        %get3A_246 = arith.index_cast %scan3A_187 : i32 to index
        %get3A_247 = arith.constant 80 : index
        %get3A_248 = tpu.vector_load %arg7[%get3A_246, %get3A_247] {strides = array<i32>} : memref<128x128xf32, #tpu.memory_space<vmem>>, vector<1x16xf32>,
        %get3A_249 = vector.shape_cast %get3A_248 : vector<1x16xf32> to vector<16xf32>
        %mul3A_250 = arith.constant 11.3137083 : f32
        %mul3A_251 = vector.broadcast %mul3A_250 : f32 to vector<16xf32>
        %mul3A_252 = arith.mulf %get3A_249, %mul3A_251 : vector<16xf32>
        %swap3A_253 = arith.index_cast %scan3A_187 : i32 to index
        %swap3A_254 = arith.constant 80 : index
        %swap3A_255 = tpu.vector_load %arg10[%swap3A_253, %swap3A_254] {strides = array<i32>} : memref<128x128xf32, #tpu.memory_space<vmem>>, vector<1x16xf32>,
        %swap3A_256 = vector.shape_cast %swap3A_255 : vector<1x16xf32> to vector<16xf32>
        %swap3A_257 = vector.shape_cast %mul3A_252 : vector<16xf32> to vector<1x16xf32>
        tpu.vector_store %arg10[%swap3A_253, %swap3A_254], %swap3A_257 {strides = array<i32>} : memref<128x128xf32, #tpu.memory_space<vmem>>, vector<1x16xf32>,
        %get3A_258 = arith.index_cast %scan3A_187 : i32 to index
        %get3A_259 = arith.constant 96 : index
        %get3A_260 = tpu.vector_load %arg7[%get3A_258, %get3A_259] {strides = array<i32>} : memref<128x128xf32, #tpu.memory_space<vmem>>, vector<1x16xf32>,
        %get3A_261 = vector.shape_cast %get3A_260 : vector<1x16xf32> to vector<16xf32>
        %mul3A_262 = arith.constant 11.3137083 : f32
        %mul3A_263 = vector.broadcast %mul3A_262 : f32 to vector<16xf32>
        %mul3A_264 = arith.mulf %get3A_261, %mul3A_263 : vector<16xf32>
        %swap3A_265 = arith.index_cast %scan3A_187 : i32 to index
        %swap3A_266 = arith.constant 96 : index
        %swap3A_267 = tpu.vector_load %arg10[%swap3A_265, %swap3A_266] {strides = array<i32>} : memref<128x128xf32, #tpu.memory_space<vmem>>, vector<1x16xf32>,
        %swap3A_268 = vector.shape_cast %swap3A_267 : vector<1x16xf32> to vector<16xf32>
        %swap3A_269 = vector.shape_cast %mul3A_264 : vector<16xf32> to vector<1x16xf32>
        tpu.vector_store %arg10[%swap3A_265, %swap3A_266], %swap3A_269 {strides = array<i32>} : memref<128x128xf32, #tpu.memory_space<vmem>>, vector<1x16xf32>,
        %get3A_270 = arith.index_cast %scan3A_187 : i32 to index
        %get3A_271 = arith.constant 112 : index
        %get3A_272 = tpu.vector_load %arg7[%get3A_270, %get3A_271] {strides = array<i32>} : memref<128x128xf32, #tpu.memory_space<vmem>>, vector<1x16xf32>,
        %get3A_273 = vector.shape_cast %get3A_272 : vector<1x16xf32> to vector<16xf32>
        %mul3A_274 = arith.constant 11.3137083 : f32
        %mul3A_275 = vector.broadcast %mul3A_274 : f32 to vector<16xf32>
        %mul3A_276 = arith.mulf %get3A_273, %mul3A_275 : vector<16xf32>
        %swap3A_277 = arith.index_cast %scan3A_187 : i32 to index
        %swap3A_278 = arith.constant 112 : index
        %swap3A_279 = tpu.vector_load %arg10[%swap3A_277, %swap3A_278] {strides = array<i32>} : memref<128x128xf32, #tpu.memory_space<vmem>>, vector<1x16xf32>,
        %swap3A_280 = vector.shape_cast %swap3A_279 : vector<1x16xf32> to vector<16xf32>
        %swap3A_281 = vector.shape_cast %mul3A_276 : vector<16xf32> to vector<1x16xf32>
        tpu.vector_store %arg10[%swap3A_277, %swap3A_278], %swap3A_281 {strides = array<i32>} : memref<128x128xf32, #tpu.memory_space<vmem>>, vector<1x16xf32>,
      }
      %scan3A_137 = arith.constant 128 : i32
      %add3A_138 = arith.constant 3 : i32
      %add3A_139 = arith.addi %add3A_120, %add3A_138 : i32
      %lt3A_140 = arith.constant 50 : i32
      %lt3A_141 = arith.cmpi slt, %add3A_139, %lt3A_140 : i32
      %convert_element_type3A_142 = arith.extui %lt3A_141 : i1 to i32
      %cond3A_143 = arith.constant 0 : i32
      %cond3A_144 = arith.cmpi ne, %convert_element_type3A_142, %cond3A_143 : i32
      scf.if %cond3A_144 {
        %add3A_187 = arith.constant 3 : i32
        %add3A_188 = arith.addi %add3A_120, %add3A_187 : i32
        %dma_start3A_189 = arith.constant 0 : i32
        %dma_start3A_190 = tpu.memref_slice %arg5[%add3A_188, %dma_start3A_189] : memref<50x128xi32, #tpu.memory_space<vmem>> -> memref<1x128xi32, #tpu.memory_space<vmem>>
        %dma_start3A_191 = tpu.memref_squeeze %dma_start3A_190 : memref<1x128xi32, #tpu.memory_space<vmem>> -> memref<128xi32, #tpu.memory_space<vmem>>
        %dma_start3A_192 = arith.constant 0 : i32
        %dma_start3A_193 = arith.constant 0 : i32
        %dma_start3A_194 = tpu.memref_slice %arg3[%dma_start3A_192, %dma_start3A_193] : memref<100000x128xf32, #tpu.memory_space<hbm>> -> memref<100000x128xf32, #tpu.memory_space<hbm>>
        tpu.enqueue_indirect_dma source(%dma_start3A_194 : memref<100000x128xf32, #tpu.memory_space<hbm>>) target(%arg7 : memref<128x128xf32, #tpu.memory_space<vmem>>) offsets(%dma_start3A_191 : memref<128xi32, #tpu.memory_space<vmem>>) semaphore(%arg13 : memref<!tpu.dma_semaphore, #tpu.memory_space<semaphore_mem>>)
      } else {
      }
      %mul3A_145 = arith.constant 128 : i32
      %mul3A_146 = arith.muli %add3A_120, %mul3A_145 : i32
      %add3A_147 = arith.addi %mul3A_2, %mul3A_146 : i32
      %dma_start3A_148 = arith.constant 0 : i32
      %dma_start3A_149 = tpu.memref_slice %arg4[%add3A_147, %dma_start3A_148] : memref<204800x128xf32, #tpu.memory_space<hbm>> -> memref<128x128xf32, #tpu.memory_space<hbm>>
      %dma_start3A_150 = arith.constant 0 : i32
      %dma_start3A_151 = tpu.memref_slice %arg4[%add3A_147, %dma_start3A_150] : memref<204800x128xf32, #tpu.memory_space<hbm>> -> memref<128x128xf32, #tpu.memory_space<hbm>>
      tpu.enqueue_dma source(%arg10 : memref<128x128xf32, #tpu.memory_space<vmem>>) target(%dma_start3A_151 : memref<128x128xf32, #tpu.memory_space<hbm>>) target_semaphore(%arg16 : memref<!tpu.dma_semaphore, #tpu.memory_space<semaphore_mem>>)
      %mul3A_152 = arith.constant 3 : i32
      %mul3A_153 = arith.muli %scan3A_85, %mul3A_152 : i32
      %add3A_154 = arith.constant 2 : i32
      %add3A_155 = arith.addi %mul3A_153, %add3A_154 : i32
      %dma_wait3A_156 = arith.constant 0 : i32
      %dma_wait3A_157 = tpu.memref_slice %arg5[%add3A_155, %dma_wait3A_156] : memref<50x128xi32, #tpu.memory_space<vmem>> -> memref<1x128xi32, #tpu.memory_space<vmem>>
      %dma_wait3A_158 = tpu.memref_squeeze %dma_wait3A_157 : memref<1x128xi32, #tpu.memory_space<vmem>> -> memref<128xi32, #tpu.memory_space<vmem>>
      %dma_wait3A_159 = arith.constant 0 : i32
      %dma_wait3A_160 = arith.constant 0 : i32
      %dma_wait3A_161 = tpu.memref_slice %arg3[%dma_wait3A_159, %dma_wait3A_160] : memref<100000x128xf32, #tpu.memory_space<hbm>> -> memref<100000x128xf32, #tpu.memory_space<hbm>>
      tpu.wait_indirect_dma semaphore(%arg14 : memref<!tpu.dma_semaphore, #tpu.memory_space<semaphore_mem>>) src(%dma_wait3A_161 : memref<100000x128xf32, #tpu.memory_space<hbm>>) dst(%arg8 : memref<128x128xf32, #tpu.memory_space<vmem>>)
      %ge3A_162 = arith.constant 3 : i32
      %ge3A_163 = arith.cmpi sge, %add3A_155, %ge3A_162 : i32
      %convert_element_type3A_164 = arith.extui %ge3A_163 : i1 to i32
      %cond3A_165 = arith.constant 0 : i32
      %cond3A_166 = arith.cmpi ne, %convert_element_type3A_164, %cond3A_165 : i32
      scf.if %cond3A_166 {
        %dma_wait3A_187 = arith.constant 0 : i32
        %dma_wait3A_188 = tpu.memref_slice %arg4[%mul3A_2, %dma_wait3A_187] : memref<204800x128xf32, #tpu.memory_space<hbm>> -> memref<128x128xf32, #tpu.memory_space<hbm>>
        %dma_wait3A_189 = arith.constant 0 : i32
        %dma_wait3A_190 = tpu.memref_slice %arg4[%mul3A_2, %dma_wait3A_189] : memref<204800x128xf32, #tpu.memory_space<hbm>> -> memref<128x128xf32, #tpu.memory_space<hbm>>
        tpu.wait_dma2 semaphore(%arg17 : memref<!tpu.dma_semaphore, #tpu.memory_space<semaphore_mem>>) src(%arg11 : memref<128x128xf32, #tpu.memory_space<vmem>>) dst(%dma_wait3A_190 : memref<128x128xf32, #tpu.memory_space<hbm>>)
      } else {
      }
      %scan3A_167 = arith.constant 0 : i32
      %scan3A_168 = arith.constant 0 : i32
      %scan3A_169 = arith.constant 128 : i32
      %scan3A_170 = arith.addi %scan3A_168, %scan3A_169 : i32
      %scan3A_171 = arith.constant 1 : i32
      scf.for %scan3A_187 = %scan3A_168 to %scan3A_170 step %scan3A_171  : i32 {
        %get3A = arith.index_cast %scan3A_187 : i32 to index
        %get3A_188 = arith.constant 0 : index
        %get3A_189 = tpu.vector_load %arg8[%get3A, %get3A_188] {strides = array<i32>} : memref<128x128xf32, #tpu.memory_space<vmem>>, vector<1x16xf32>,
        %get3A_190 = vector.shape_cast %get3A_189 : vector<1x16xf32> to vector<16xf32>
        %mul3A_191 = arith.constant 11.3137083 : f32
        %mul3A_192 = vector.broadcast %mul3A_191 : f32 to vector<16xf32>
        %mul3A_193 = arith.mulf %get3A_190, %mul3A_192 : vector<16xf32>
        %swap3A = arith.index_cast %scan3A_187 : i32 to index
        %swap3A_194 = arith.constant 0 : index
        %swap3A_195 = tpu.vector_load %arg11[%swap3A, %swap3A_194] {strides = array<i32>} : memref<128x128xf32, #tpu.memory_space<vmem>>, vector<1x16xf32>,
        %swap3A_196 = vector.shape_cast %swap3A_195 : vector<1x16xf32> to vector<16xf32>
        %swap3A_197 = vector.shape_cast %mul3A_193 : vector<16xf32> to vector<1x16xf32>
        tpu.vector_store %arg11[%swap3A, %swap3A_194], %swap3A_197 {strides = array<i32>} : memref<128x128xf32, #tpu.memory_space<vmem>>, vector<1x16xf32>,
        %get3A_198 = arith.index_cast %scan3A_187 : i32 to index
        %get3A_199 = arith.constant 16 : index
        %get3A_200 = tpu.vector_load %arg8[%get3A_198, %get3A_199] {strides = array<i32>} : memref<128x128xf32, #tpu.memory_space<vmem>>, vector<1x16xf32>,
        %get3A_201 = vector.shape_cast %get3A_200 : vector<1x16xf32> to vector<16xf32>
        %mul3A_202 = arith.constant 11.3137083 : f32
        %mul3A_203 = vector.broadcast %mul3A_202 : f32 to vector<16xf32>
        %mul3A_204 = arith.mulf %get3A_201, %mul3A_203 : vector<16xf32>
        %swap3A_205 = arith.index_cast %scan3A_187 : i32 to index
        %swap3A_206 = arith.constant 16 : index
        %swap3A_207 = tpu.vector_load %arg11[%swap3A_205, %swap3A_206] {strides = array<i32>} : memref<128x128xf32, #tpu.memory_space<vmem>>, vector<1x16xf32>,
        %swap3A_208 = vector.shape_cast %swap3A_207 : vector<1x16xf32> to vector<16xf32>
        %swap3A_209 = vector.shape_cast %mul3A_204 : vector<16xf32> to vector<1x16xf32>
        tpu.vector_store %arg11[%swap3A_205, %swap3A_206], %swap3A_209 {strides = array<i32>} : memref<128x128xf32, #tpu.memory_space<vmem>>, vector<1x16xf32>,
        %get3A_210 = arith.index_cast %scan3A_187 : i32 to index
        %get3A_211 = arith.constant 32 : index
        %get3A_212 = tpu.vector_load %arg8[%get3A_210, %get3A_211] {strides = array<i32>} : memref<128x128xf32, #tpu.memory_space<vmem>>, vector<1x16xf32>,
        %get3A_213 = vector.shape_cast %get3A_212 : vector<1x16xf32> to vector<16xf32>
        %mul3A_214 = arith.constant 11.3137083 : f32
        %mul3A_215 = vector.broadcast %mul3A_214 : f32 to vector<16xf32>
        %mul3A_216 = arith.mulf %get3A_213, %mul3A_215 : vector<16xf32>
        %swap3A_217 = arith.index_cast %scan3A_187 : i32 to index
        %swap3A_218 = arith.constant 32 : index
        %swap3A_219 = tpu.vector_load %arg11[%swap3A_217, %swap3A_218] {strides = array<i32>} : memref<128x128xf32, #tpu.memory_space<vmem>>, vector<1x16xf32>,
        %swap3A_220 = vector.shape_cast %swap3A_219 : vector<1x16xf32> to vector<16xf32>
        %swap3A_221 = vector.shape_cast %mul3A_216 : vector<16xf32> to vector<1x16xf32>
        tpu.vector_store %arg11[%swap3A_217, %swap3A_218], %swap3A_221 {strides = array<i32>} : memref<128x128xf32, #tpu.memory_space<vmem>>, vector<1x16xf32>,
        %get3A_222 = arith.index_cast %scan3A_187 : i32 to index
        %get3A_223 = arith.constant 48 : index
        %get3A_224 = tpu.vector_load %arg8[%get3A_222, %get3A_223] {strides = array<i32>} : memref<128x128xf32, #tpu.memory_space<vmem>>, vector<1x16xf32>,
        %get3A_225 = vector.shape_cast %get3A_224 : vector<1x16xf32> to vector<16xf32>
        %mul3A_226 = arith.constant 11.3137083 : f32
        %mul3A_227 = vector.broadcast %mul3A_226 : f32 to vector<16xf32>
        %mul3A_228 = arith.mulf %get3A_225, %mul3A_227 : vector<16xf32>
        %swap3A_229 = arith.index_cast %scan3A_187 : i32 to index
        %swap3A_230 = arith.constant 48 : index
        %swap3A_231 = tpu.vector_load %arg11[%swap3A_229, %swap3A_230] {strides = array<i32>} : memref<128x128xf32, #tpu.memory_space<vmem>>, vector<1x16xf32>,
        %swap3A_232 = vector.shape_cast %swap3A_231 : vector<1x16xf32> to vector<16xf32>
        %swap3A_233 = vector.shape_cast %mul3A_228 : vector<16xf32> to vector<1x16xf32>
        tpu.vector_store %arg11[%swap3A_229, %swap3A_230], %swap3A_233 {strides = array<i32>} : memref<128x128xf32, #tpu.memory_space<vmem>>, vector<1x16xf32>,
        %get3A_234 = arith.index_cast %scan3A_187 : i32 to index
        %get3A_235 = arith.constant 64 : index
        %get3A_236 = tpu.vector_load %arg8[%get3A_234, %get3A_235] {strides = array<i32>} : memref<128x128xf32, #tpu.memory_space<vmem>>, vector<1x16xf32>,
        %get3A_237 = vector.shape_cast %get3A_236 : vector<1x16xf32> to vector<16xf32>
        %mul3A_238 = arith.constant 11.3137083 : f32
        %mul3A_239 = vector.broadcast %mul3A_238 : f32 to vector<16xf32>
        %mul3A_240 = arith.mulf %get3A_237, %mul3A_239 : vector<16xf32>
        %swap3A_241 = arith.index_cast %scan3A_187 : i32 to index
        %swap3A_242 = arith.constant 64 : index
        %swap3A_243 = tpu.vector_load %arg11[%swap3A_241, %swap3A_242] {strides = array<i32>} : memref<128x128xf32, #tpu.memory_space<vmem>>, vector<1x16xf32>,
        %swap3A_244 = vector.shape_cast %swap3A_243 : vector<1x16xf32> to vector<16xf32>
        %swap3A_245 = vector.shape_cast %mul3A_240 : vector<16xf32> to vector<1x16xf32>
        tpu.vector_store %arg11[%swap3A_241, %swap3A_242], %swap3A_245 {strides = array<i32>} : memref<128x128xf32, #tpu.memory_space<vmem>>, vector<1x16xf32>,
        %get3A_246 = arith.index_cast %scan3A_187 : i32 to index
        %get3A_247 = arith.constant 80 : index
        %get3A_248 = tpu.vector_load %arg8[%get3A_246, %get3A_247] {strides = array<i32>} : memref<128x128xf32, #tpu.memory_space<vmem>>, vector<1x16xf32>,
        %get3A_249 = vector.shape_cast %get3A_248 : vector<1x16xf32> to vector<16xf32>
        %mul3A_250 = arith.constant 11.3137083 : f32
        %mul3A_251 = vector.broadcast %mul3A_250 : f32 to vector<16xf32>
        %mul3A_252 = arith.mulf %get3A_249, %mul3A_251 : vector<16xf32>
        %swap3A_253 = arith.index_cast %scan3A_187 : i32 to index
        %swap3A_254 = arith.constant 80 : index
        %swap3A_255 = tpu.vector_load %arg11[%swap3A_253, %swap3A_254] {strides = array<i32>} : memref<128x128xf32, #tpu.memory_space<vmem>>, vector<1x16xf32>,
        %swap3A_256 = vector.shape_cast %swap3A_255 : vector<1x16xf32> to vector<16xf32>
        %swap3A_257 = vector.shape_cast %mul3A_252 : vector<16xf32> to vector<1x16xf32>
        tpu.vector_store %arg11[%swap3A_253, %swap3A_254], %swap3A_257 {strides = array<i32>} : memref<128x128xf32, #tpu.memory_space<vmem>>, vector<1x16xf32>,
        %get3A_258 = arith.index_cast %scan3A_187 : i32 to index
        %get3A_259 = arith.constant 96 : index
        %get3A_260 = tpu.vector_load %arg8[%get3A_258, %get3A_259] {strides = array<i32>} : memref<128x128xf32, #tpu.memory_space<vmem>>, vector<1x16xf32>,
        %get3A_261 = vector.shape_cast %get3A_260 : vector<1x16xf32> to vector<16xf32>
        %mul3A_262 = arith.constant 11.3137083 : f32
        %mul3A_263 = vector.broadcast %mul3A_262 : f32 to vector<16xf32>
        %mul3A_264 = arith.mulf %get3A_261, %mul3A_263 : vector<16xf32>
        %swap3A_265 = arith.index_cast %scan3A_187 : i32 to index
        %swap3A_266 = arith.constant 96 : index
        %swap3A_267 = tpu.vector_load %arg11[%swap3A_265, %swap3A_266] {strides = array<i32>} : memref<128x128xf32, #tpu.memory_space<vmem>>, vector<1x16xf32>,
        %swap3A_268 = vector.shape_cast %swap3A_267 : vector<1x16xf32> to vector<16xf32>
        %swap3A_269 = vector.shape_cast %mul3A_264 : vector<16xf32> to vector<1x16xf32>
        tpu.vector_store %arg11[%swap3A_265, %swap3A_266], %swap3A_269 {strides = array<i32>} : memref<128x128xf32, #tpu.memory_space<vmem>>, vector<1x16xf32>,
        %get3A_270 = arith.index_cast %scan3A_187 : i32 to index
        %get3A_271 = arith.constant 112 : index
        %get3A_272 = tpu.vector_load %arg8[%get3A_270, %get3A_271] {strides = array<i32>} : memref<128x128xf32, #tpu.memory_space<vmem>>, vector<1x16xf32>,
        %get3A_273 = vector.shape_cast %get3A_272 : vector<1x16xf32> to vector<16xf32>
        %mul3A_274 = arith.constant 11.3137083 : f32
        %mul3A_275 = vector.broadcast %mul3A_274 : f32 to vector<16xf32>
        %mul3A_276 = arith.mulf %get3A_273, %mul3A_275 : vector<16xf32>
        %swap3A_277 = arith.index_cast %scan3A_187 : i32 to index
        %swap3A_278 = arith.constant 112 : index
        %swap3A_279 = tpu.vector_load %arg11[%swap3A_277, %swap3A_278] {strides = array<i32>} : memref<128x128xf32, #tpu.memory_space<vmem>>, vector<1x16xf32>,
        %swap3A_280 = vector.shape_cast %swap3A_279 : vector<1x16xf32> to vector<16xf32>
        %swap3A_281 = vector.shape_cast %mul3A_276 : vector<16xf32> to vector<1x16xf32>
        tpu.vector_store %arg11[%swap3A_277, %swap3A_278], %swap3A_281 {strides = array<i32>} : memref<128x128xf32, #tpu.memory_space<vmem>>, vector<1x16xf32>,
      }
      %scan3A_172 = arith.constant 128 : i32
      %add3A_173 = arith.constant 3 : i32
      %add3A_174 = arith.addi %add3A_155, %add3A_173 : i32
      %lt3A_175 = arith.constant 50 : i32
      %lt3A_176 = arith.cmpi slt, %add3A_174, %lt3A_175 : i32
      %convert_element_type3A_177 = arith.extui %lt3A_176 : i1 to i32
      %cond3A_178 = arith.constant 0 : i32
      %cond3A_179 = arith.cmpi ne, %convert_element_type3A_177, %cond3A_178 : i32
      scf.if %cond3A_179 {
        %add3A_187 = arith.constant 3 : i32
        %add3A_188 = arith.addi %add3A_155, %add3A_187 : i32
        %dma_start3A_189 = arith.constant 0 : i32
        %dma_start3A_190 = tpu.memref_slice %arg5[%add3A_188, %dma_start3A_189] : memref<50x128xi32, #tpu.memory_space<vmem>> -> memref<1x128xi32, #tpu.memory_space<vmem>>
        %dma_start3A_191 = tpu.memref_squeeze %dma_start3A_190 : memref<1x128xi32, #tpu.memory_space<vmem>> -> memref<128xi32, #tpu.memory_space<vmem>>
        %dma_start3A_192 = arith.constant 0 : i32
        %dma_start3A_193 = arith.constant 0 : i32
        %dma_start3A_194 = tpu.memref_slice %arg3[%dma_start3A_192, %dma_start3A_193] : memref<100000x128xf32, #tpu.memory_space<hbm>> -> memref<100000x128xf32, #tpu.memory_space<hbm>>
        tpu.enqueue_indirect_dma source(%dma_start3A_194 : memref<100000x128xf32, #tpu.memory_space<hbm>>) target(%arg8 : memref<128x128xf32, #tpu.memory_space<vmem>>) offsets(%dma_start3A_191 : memref<128xi32, #tpu.memory_space<vmem>>) semaphore(%arg14 : memref<!tpu.dma_semaphore, #tpu.memory_space<semaphore_mem>>)
      } else {
      }
      %mul3A_180 = arith.constant 128 : i32
      %mul3A_181 = arith.muli %add3A_155, %mul3A_180 : i32
      %add3A_182 = arith.addi %mul3A_2, %mul3A_181 : i32
      %dma_start3A_183 = arith.constant 0 : i32
      %dma_start3A_184 = tpu.memref_slice %arg4[%add3A_182, %dma_start3A_183] : memref<204800x128xf32, #tpu.memory_space<hbm>> -> memref<128x128xf32, #tpu.memory_space<hbm>>
      %dma_start3A_185 = arith.constant 0 : i32
      %dma_start3A_186 = tpu.memref_slice %arg4[%add3A_182, %dma_start3A_185] : memref<204800x128xf32, #tpu.memory_space<hbm>> -> memref<128x128xf32, #tpu.memory_space<hbm>>
      tpu.enqueue_dma source(%arg11 : memref<128x128xf32, #tpu.memory_space<vmem>>) target(%dma_start3A_186 : memref<128x128xf32, #tpu.memory_space<hbm>>) target_semaphore(%arg17 : memref<!tpu.dma_semaphore, #tpu.memory_space<semaphore_mem>>)
    }
    %scan3A_27 = arith.constant 16 : i32
    %dma_wait3A = arith.constant 48 : i32
    %dma_wait3A_28 = arith.constant 0 : i32
    %dma_wait3A_29 = tpu.memref_slice %arg5[%dma_wait3A, %dma_wait3A_28] : memref<50x128xi32, #tpu.memory_space<vmem>> -> memref<1x128xi32, #tpu.memory_space<vmem>>
    %dma_wait3A_30 = tpu.memref_squeeze %dma_wait3A_29 : memref<1x128xi32, #tpu.memory_space<vmem>> -> memref<128xi32, #tpu.memory_space<vmem>>
    %dma_wait3A_31 = arith.constant 0 : i32
    %dma_wait3A_32 = arith.constant 0 : i32
    %dma_wait3A_33 = tpu.memref_slice %arg3[%dma_wait3A_31, %dma_wait3A_32] : memref<100000x128xf32, #tpu.memory_space<hbm>> -> memref<100000x128xf32, #tpu.memory_space<hbm>>
    tpu.wait_indirect_dma semaphore(%arg12 : memref<!tpu.dma_semaphore, #tpu.memory_space<semaphore_mem>>) src(%dma_wait3A_33 : memref<100000x128xf32, #tpu.memory_space<hbm>>) dst(%arg6 : memref<128x128xf32, #tpu.memory_space<vmem>>)
    %dma_wait3A_34 = arith.constant 0 : i32
    %dma_wait3A_35 = tpu.memref_slice %arg4[%mul3A_2, %dma_wait3A_34] : memref<204800x128xf32, #tpu.memory_space<hbm>> -> memref<128x128xf32, #tpu.memory_space<hbm>>
    %dma_wait3A_36 = arith.constant 0 : i32
    %dma_wait3A_37 = tpu.memref_slice %arg4[%mul3A_2, %dma_wait3A_36] : memref<204800x128xf32, #tpu.memory_space<hbm>> -> memref<128x128xf32, #tpu.memory_space<hbm>>
    tpu.wait_dma2 semaphore(%arg15 : memref<!tpu.dma_semaphore, #tpu.memory_space<semaphore_mem>>) src(%arg9 : memref<128x128xf32, #tpu.memory_space<vmem>>) dst(%dma_wait3A_37 : memref<128x128xf32, #tpu.memory_space<hbm>>)
    %scan3A_38 = arith.constant 0 : i32
    %scan3A_39 = arith.constant 0 : i32
    %scan3A_40 = arith.constant 128 : i32
    %scan3A_41 = arith.addi %scan3A_39, %scan3A_40 : i32
    %scan3A_42 = arith.constant 1 : i32
    scf.for %scan3A_85 = %scan3A_39 to %scan3A_41 step %scan3A_42  : i32 {
      %get3A = arith.index_cast %scan3A_85 : i32 to index
      %get3A_86 = arith.constant 0 : index
      %get3A_87 = tpu.vector_load %arg6[%get3A, %get3A_86] {strides = array<i32>} : memref<128x128xf32, #tpu.memory_space<vmem>>, vector<1x16xf32>,
      %get3A_88 = vector.shape_cast %get3A_87 : vector<1x16xf32> to vector<16xf32>
      %mul3A_89 = arith.constant 11.3137083 : f32
      %mul3A_90 = vector.broadcast %mul3A_89 : f32 to vector<16xf32>
      %mul3A_91 = arith.mulf %get3A_88, %mul3A_90 : vector<16xf32>
      %swap3A = arith.index_cast %scan3A_85 : i32 to index
      %swap3A_92 = arith.constant 0 : index
      %swap3A_93 = tpu.vector_load %arg9[%swap3A, %swap3A_92] {strides = array<i32>} : memref<128x128xf32, #tpu.memory_space<vmem>>, vector<1x16xf32>,
      %swap3A_94 = vector.shape_cast %swap3A_93 : vector<1x16xf32> to vector<16xf32>
      %swap3A_95 = vector.shape_cast %mul3A_91 : vector<16xf32> to vector<1x16xf32>
      tpu.vector_store %arg9[%swap3A, %swap3A_92], %swap3A_95 {strides = array<i32>} : memref<128x128xf32, #tpu.memory_space<vmem>>, vector<1x16xf32>,
      %get3A_96 = arith.index_cast %scan3A_85 : i32 to index
      %get3A_97 = arith.constant 16 : index
      %get3A_98 = tpu.vector_load %arg6[%get3A_96, %get3A_97] {strides = array<i32>} : memref<128x128xf32, #tpu.memory_space<vmem>>, vector<1x16xf32>,
      %get3A_99 = vector.shape_cast %get3A_98 : vector<1x16xf32> to vector<16xf32>
      %mul3A_100 = arith.constant 11.3137083 : f32
      %mul3A_101 = vector.broadcast %mul3A_100 : f32 to vector<16xf32>
      %mul3A_102 = arith.mulf %get3A_99, %mul3A_101 : vector<16xf32>
      %swap3A_103 = arith.index_cast %scan3A_85 : i32 to index
      %swap3A_104 = arith.constant 16 : index
      %swap3A_105 = tpu.vector_load %arg9[%swap3A_103, %swap3A_104] {strides = array<i32>} : memref<128x128xf32, #tpu.memory_space<vmem>>, vector<1x16xf32>,
      %swap3A_106 = vector.shape_cast %swap3A_105 : vector<1x16xf32> to vector<16xf32>
      %swap3A_107 = vector.shape_cast %mul3A_102 : vector<16xf32> to vector<1x16xf32>
      tpu.vector_store %arg9[%swap3A_103, %swap3A_104], %swap3A_107 {strides = array<i32>} : memref<128x128xf32, #tpu.memory_space<vmem>>, vector<1x16xf32>,
      %get3A_108 = arith.index_cast %scan3A_85 : i32 to index
      %get3A_109 = arith.constant 32 : index
      %get3A_110 = tpu.vector_load %arg6[%get3A_108, %get3A_109] {strides = array<i32>} : memref<128x128xf32, #tpu.memory_space<vmem>>, vector<1x16xf32>,
      %get3A_111 = vector.shape_cast %get3A_110 : vector<1x16xf32> to vector<16xf32>
      %mul3A_112 = arith.constant 11.3137083 : f32
      %mul3A_113 = vector.broadcast %mul3A_112 : f32 to vector<16xf32>
      %mul3A_114 = arith.mulf %get3A_111, %mul3A_113 : vector<16xf32>
      %swap3A_115 = arith.index_cast %scan3A_85 : i32 to index
      %swap3A_116 = arith.constant 32 : index
      %swap3A_117 = tpu.vector_load %arg9[%swap3A_115, %swap3A_116] {strides = array<i32>} : memref<128x128xf32, #tpu.memory_space<vmem>>, vector<1x16xf32>,
      %swap3A_118 = vector.shape_cast %swap3A_117 : vector<1x16xf32> to vector<16xf32>
      %swap3A_119 = vector.shape_cast %mul3A_114 : vector<16xf32> to vector<1x16xf32>
      tpu.vector_store %arg9[%swap3A_115, %swap3A_116], %swap3A_119 {strides = array<i32>} : memref<128x128xf32, #tpu.memory_space<vmem>>, vector<1x16xf32>,
      %get3A_120 = arith.index_cast %scan3A_85 : i32 to index
      %get3A_121 = arith.constant 48 : index
      %get3A_122 = tpu.vector_load %arg6[%get3A_120, %get3A_121] {strides = array<i32>} : memref<128x128xf32, #tpu.memory_space<vmem>>, vector<1x16xf32>,
      %get3A_123 = vector.shape_cast %get3A_122 : vector<1x16xf32> to vector<16xf32>
      %mul3A_124 = arith.constant 11.3137083 : f32
      %mul3A_125 = vector.broadcast %mul3A_124 : f32 to vector<16xf32>
      %mul3A_126 = arith.mulf %get3A_123, %mul3A_125 : vector<16xf32>
      %swap3A_127 = arith.index_cast %scan3A_85 : i32 to index
      %swap3A_128 = arith.constant 48 : index
      %swap3A_129 = tpu.vector_load %arg9[%swap3A_127, %swap3A_128] {strides = array<i32>} : memref<128x128xf32, #tpu.memory_space<vmem>>, vector<1x16xf32>,
      %swap3A_130 = vector.shape_cast %swap3A_129 : vector<1x16xf32> to vector<16xf32>
      %swap3A_131 = vector.shape_cast %mul3A_126 : vector<16xf32> to vector<1x16xf32>
      tpu.vector_store %arg9[%swap3A_127, %swap3A_128], %swap3A_131 {strides = array<i32>} : memref<128x128xf32, #tpu.memory_space<vmem>>, vector<1x16xf32>,
      %get3A_132 = arith.index_cast %scan3A_85 : i32 to index
      %get3A_133 = arith.constant 64 : index
      %get3A_134 = tpu.vector_load %arg6[%get3A_132, %get3A_133] {strides = array<i32>} : memref<128x128xf32, #tpu.memory_space<vmem>>, vector<1x16xf32>,
      %get3A_135 = vector.shape_cast %get3A_134 : vector<1x16xf32> to vector<16xf32>
      %mul3A_136 = arith.constant 11.3137083 : f32
      %mul3A_137 = vector.broadcast %mul3A_136 : f32 to vector<16xf32>
      %mul3A_138 = arith.mulf %get3A_135, %mul3A_137 : vector<16xf32>
      %swap3A_139 = arith.index_cast %scan3A_85 : i32 to index
      %swap3A_140 = arith.constant 64 : index
      %swap3A_141 = tpu.vector_load %arg9[%swap3A_139, %swap3A_140] {strides = array<i32>} : memref<128x128xf32, #tpu.memory_space<vmem>>, vector<1x16xf32>,
      %swap3A_142 = vector.shape_cast %swap3A_141 : vector<1x16xf32> to vector<16xf32>
      %swap3A_143 = vector.shape_cast %mul3A_138 : vector<16xf32> to vector<1x16xf32>
      tpu.vector_store %arg9[%swap3A_139, %swap3A_140], %swap3A_143 {strides = array<i32>} : memref<128x128xf32, #tpu.memory_space<vmem>>, vector<1x16xf32>,
      %get3A_144 = arith.index_cast %scan3A_85 : i32 to index
      %get3A_145 = arith.constant 80 : index
      %get3A_146 = tpu.vector_load %arg6[%get3A_144, %get3A_145] {strides = array<i32>} : memref<128x128xf32, #tpu.memory_space<vmem>>, vector<1x16xf32>,
      %get3A_147 = vector.shape_cast %get3A_146 : vector<1x16xf32> to vector<16xf32>
      %mul3A_148 = arith.constant 11.3137083 : f32
      %mul3A_149 = vector.broadcast %mul3A_148 : f32 to vector<16xf32>
      %mul3A_150 = arith.mulf %get3A_147, %mul3A_149 : vector<16xf32>
      %swap3A_151 = arith.index_cast %scan3A_85 : i32 to index
      %swap3A_152 = arith.constant 80 : index
      %swap3A_153 = tpu.vector_load %arg9[%swap3A_151, %swap3A_152] {strides = array<i32>} : memref<128x128xf32, #tpu.memory_space<vmem>>, vector<1x16xf32>,
      %swap3A_154 = vector.shape_cast %swap3A_153 : vector<1x16xf32> to vector<16xf32>
      %swap3A_155 = vector.shape_cast %mul3A_150 : vector<16xf32> to vector<1x16xf32>
      tpu.vector_store %arg9[%swap3A_151, %swap3A_152], %swap3A_155 {strides = array<i32>} : memref<128x128xf32, #tpu.memory_space<vmem>>, vector<1x16xf32>,
      %get3A_156 = arith.index_cast %scan3A_85 : i32 to index
      %get3A_157 = arith.constant 96 : index
      %get3A_158 = tpu.vector_load %arg6[%get3A_156, %get3A_157] {strides = array<i32>} : memref<128x128xf32, #tpu.memory_space<vmem>>, vector<1x16xf32>,
      %get3A_159 = vector.shape_cast %get3A_158 : vector<1x16xf32> to vector<16xf32>
      %mul3A_160 = arith.constant 11.3137083 : f32
      %mul3A_161 = vector.broadcast %mul3A_160 : f32 to vector<16xf32>
      %mul3A_162 = arith.mulf %get3A_159, %mul3A_161 : vector<16xf32>
      %swap3A_163 = arith.index_cast %scan3A_85 : i32 to index
      %swap3A_164 = arith.constant 96 : index
      %swap3A_165 = tpu.vector_load %arg9[%swap3A_163, %swap3A_164] {strides = array<i32>} : memref<128x128xf32, #tpu.memory_space<vmem>>, vector<1x16xf32>,
      %swap3A_166 = vector.shape_cast %swap3A_165 : vector<1x16xf32> to vector<16xf32>
      %swap3A_167 = vector.shape_cast %mul3A_162 : vector<16xf32> to vector<1x16xf32>
      tpu.vector_store %arg9[%swap3A_163, %swap3A_164], %swap3A_167 {strides = array<i32>} : memref<128x128xf32, #tpu.memory_space<vmem>>, vector<1x16xf32>,
      %get3A_168 = arith.index_cast %scan3A_85 : i32 to index
      %get3A_169 = arith.constant 112 : index
      %get3A_170 = tpu.vector_load %arg6[%get3A_168, %get3A_169] {strides = array<i32>} : memref<128x128xf32, #tpu.memory_space<vmem>>, vector<1x16xf32>,
      %get3A_171 = vector.shape_cast %get3A_170 : vector<1x16xf32> to vector<16xf32>
      %mul3A_172 = arith.constant 11.3137083 : f32
      %mul3A_173 = vector.broadcast %mul3A_172 : f32 to vector<16xf32>
      %mul3A_174 = arith.mulf %get3A_171, %mul3A_173 : vector<16xf32>
      %swap3A_175 = arith.index_cast %scan3A_85 : i32 to index
      %swap3A_176 = arith.constant 112 : index
      %swap3A_177 = tpu.vector_load %arg9[%swap3A_175, %swap3A_176] {strides = array<i32>} : memref<128x128xf32, #tpu.memory_space<vmem>>, vector<1x16xf32>,
      %swap3A_178 = vector.shape_cast %swap3A_177 : vector<1x16xf32> to vector<16xf32>
      %swap3A_179 = vector.shape_cast %mul3A_174 : vector<16xf32> to vector<1x16xf32>
      tpu.vector_store %arg9[%swap3A_175, %swap3A_176], %swap3A_179 {strides = array<i32>} : memref<128x128xf32, #tpu.memory_space<vmem>>, vector<1x16xf32>,
    }
    %scan3A_43 = arith.constant 128 : i32
    %add3A_44 = arith.constant 6144 : i32
    %add3A_45 = arith.addi %mul3A_2, %add3A_44 : i32
    %dma_start3A_46 = arith.constant 0 : i32
    %dma_start3A_47 = tpu.memref_slice %arg4[%add3A_45, %dma_start3A_46] : memref<204800x128xf32, #tpu.memory_space<hbm>> -> memref<128x128xf32, #tpu.memory_space<hbm>>
    %dma_start3A_48 = arith.constant 0 : i32
    %dma_start3A_49 = tpu.memref_slice %arg4[%add3A_45, %dma_start3A_48] : memref<204800x128xf32, #tpu.memory_space<hbm>> -> memref<128x128xf32, #tpu.memory_space<hbm>>
    tpu.enqueue_dma source(%arg9 : memref<128x128xf32, #tpu.memory_space<vmem>>) target(%dma_start3A_49 : memref<128x128xf32, #tpu.memory_space<hbm>>) target_semaphore(%arg15 : memref<!tpu.dma_semaphore, #tpu.memory_space<semaphore_mem>>)
    %dma_wait3A_50 = arith.constant 49 : i32
    %dma_wait3A_51 = arith.constant 0 : i32
    %dma_wait3A_52 = tpu.memref_slice %arg5[%dma_wait3A_50, %dma_wait3A_51] : memref<50x128xi32, #tpu.memory_space<vmem>> -> memref<1x128xi32, #tpu.memory_space<vmem>>
    %dma_wait3A_53 = tpu.memref_squeeze %dma_wait3A_52 : memref<1x128xi32, #tpu.memory_space<vmem>> -> memref<128xi32, #tpu.memory_space<vmem>>
    %dma_wait3A_54 = arith.constant 0 : i32
    %dma_wait3A_55 = arith.constant 0 : i32
    %dma_wait3A_56 = tpu.memref_slice %arg3[%dma_wait3A_54, %dma_wait3A_55] : memref<100000x128xf32, #tpu.memory_space<hbm>> -> memref<100000x128xf32, #tpu.memory_space<hbm>>
    tpu.wait_indirect_dma semaphore(%arg13 : memref<!tpu.dma_semaphore, #tpu.memory_space<semaphore_mem>>) src(%dma_wait3A_56 : memref<100000x128xf32, #tpu.memory_space<hbm>>) dst(%arg7 : memref<128x128xf32, #tpu.memory_space<vmem>>)
    %dma_wait3A_57 = arith.constant 0 : i32
    %dma_wait3A_58 = tpu.memref_slice %arg4[%mul3A_2, %dma_wait3A_57] : memref<204800x128xf32, #tpu.memory_space<hbm>> -> memref<128x128xf32, #tpu.memory_space<hbm>>
    %dma_wait3A_59 = arith.constant 0 : i32
    %dma_wait3A_60 = tpu.memref_slice %arg4[%mul3A_2, %dma_wait3A_59] : memref<204800x128xf32, #tpu.memory_space<hbm>> -> memref<128x128xf32, #tpu.memory_space<hbm>>
    tpu.wait_dma2 semaphore(%arg16 : memref<!tpu.dma_semaphore, #tpu.memory_space<semaphore_mem>>) src(%arg10 : memref<128x128xf32, #tpu.memory_space<vmem>>) dst(%dma_wait3A_60 : memref<128x128xf32, #tpu.memory_space<hbm>>)
    %scan3A_61 = arith.constant 0 : i32
    %scan3A_62 = arith.constant 0 : i32
    %scan3A_63 = arith.constant 128 : i32
    %scan3A_64 = arith.addi %scan3A_62, %scan3A_63 : i32
    %scan3A_65 = arith.constant 1 : i32
    scf.for %scan3A_85 = %scan3A_62 to %scan3A_64 step %scan3A_65  : i32 {
      %get3A = arith.index_cast %scan3A_85 : i32 to index
      %get3A_86 = arith.constant 0 : index
      %get3A_87 = tpu.vector_load %arg7[%get3A, %get3A_86] {strides = array<i32>} : memref<128x128xf32, #tpu.memory_space<vmem>>, vector<1x16xf32>,
      %get3A_88 = vector.shape_cast %get3A_87 : vector<1x16xf32> to vector<16xf32>
      %mul3A_89 = arith.constant 11.3137083 : f32
      %mul3A_90 = vector.broadcast %mul3A_89 : f32 to vector<16xf32>
      %mul3A_91 = arith.mulf %get3A_88, %mul3A_90 : vector<16xf32>
      %swap3A = arith.index_cast %scan3A_85 : i32 to index
      %swap3A_92 = arith.constant 0 : index
      %swap3A_93 = tpu.vector_load %arg10[%swap3A, %swap3A_92] {strides = array<i32>} : memref<128x128xf32, #tpu.memory_space<vmem>>, vector<1x16xf32>,
      %swap3A_94 = vector.shape_cast %swap3A_93 : vector<1x16xf32> to vector<16xf32>
      %swap3A_95 = vector.shape_cast %mul3A_91 : vector<16xf32> to vector<1x16xf32>
      tpu.vector_store %arg10[%swap3A, %swap3A_92], %swap3A_95 {strides = array<i32>} : memref<128x128xf32, #tpu.memory_space<vmem>>, vector<1x16xf32>,
      %get3A_96 = arith.index_cast %scan3A_85 : i32 to index
      %get3A_97 = arith.constant 16 : index
      %get3A_98 = tpu.vector_load %arg7[%get3A_96, %get3A_97] {strides = array<i32>} : memref<128x128xf32, #tpu.memory_space<vmem>>, vector<1x16xf32>,
      %get3A_99 = vector.shape_cast %get3A_98 : vector<1x16xf32> to vector<16xf32>
      %mul3A_100 = arith.constant 11.3137083 : f32
      %mul3A_101 = vector.broadcast %mul3A_100 : f32 to vector<16xf32>
      %mul3A_102 = arith.mulf %get3A_99, %mul3A_101 : vector<16xf32>
      %swap3A_103 = arith.index_cast %scan3A_85 : i32 to index
      %swap3A_104 = arith.constant 16 : index
      %swap3A_105 = tpu.vector_load %arg10[%swap3A_103, %swap3A_104] {strides = array<i32>} : memref<128x128xf32, #tpu.memory_space<vmem>>, vector<1x16xf32>,
      %swap3A_106 = vector.shape_cast %swap3A_105 : vector<1x16xf32> to vector<16xf32>
      %swap3A_107 = vector.shape_cast %mul3A_102 : vector<16xf32> to vector<1x16xf32>
      tpu.vector_store %arg10[%swap3A_103, %swap3A_104], %swap3A_107 {strides = array<i32>} : memref<128x128xf32, #tpu.memory_space<vmem>>, vector<1x16xf32>,
      %get3A_108 = arith.index_cast %scan3A_85 : i32 to index
      %get3A_109 = arith.constant 32 : index
      %get3A_110 = tpu.vector_load %arg7[%get3A_108, %get3A_109] {strides = array<i32>} : memref<128x128xf32, #tpu.memory_space<vmem>>, vector<1x16xf32>,
      %get3A_111 = vector.shape_cast %get3A_110 : vector<1x16xf32> to vector<16xf32>
      %mul3A_112 = arith.constant 11.3137083 : f32
      %mul3A_113 = vector.broadcast %mul3A_112 : f32 to vector<16xf32>
      %mul3A_114 = arith.mulf %get3A_111, %mul3A_113 : vector<16xf32>
      %swap3A_115 = arith.index_cast %scan3A_85 : i32 to index
      %swap3A_116 = arith.constant 32 : index
      %swap3A_117 = tpu.vector_load %arg10[%swap3A_115, %swap3A_116] {strides = array<i32>} : memref<128x128xf32, #tpu.memory_space<vmem>>, vector<1x16xf32>,
      %swap3A_118 = vector.shape_cast %swap3A_117 : vector<1x16xf32> to vector<16xf32>
      %swap3A_119 = vector.shape_cast %mul3A_114 : vector<16xf32> to vector<1x16xf32>
      tpu.vector_store %arg10[%swap3A_115, %swap3A_116], %swap3A_119 {strides = array<i32>} : memref<128x128xf32, #tpu.memory_space<vmem>>, vector<1x16xf32>,
      %get3A_120 = arith.index_cast %scan3A_85 : i32 to index
      %get3A_121 = arith.constant 48 : index
      %get3A_122 = tpu.vector_load %arg7[%get3A_120, %get3A_121] {strides = array<i32>} : memref<128x128xf32, #tpu.memory_space<vmem>>, vector<1x16xf32>,
      %get3A_123 = vector.shape_cast %get3A_122 : vector<1x16xf32> to vector<16xf32>
      %mul3A_124 = arith.constant 11.3137083 : f32
      %mul3A_125 = vector.broadcast %mul3A_124 : f32 to vector<16xf32>
      %mul3A_126 = arith.mulf %get3A_123, %mul3A_125 : vector<16xf32>
      %swap3A_127 = arith.index_cast %scan3A_85 : i32 to index
      %swap3A_128 = arith.constant 48 : index
      %swap3A_129 = tpu.vector_load %arg10[%swap3A_127, %swap3A_128] {strides = array<i32>} : memref<128x128xf32, #tpu.memory_space<vmem>>, vector<1x16xf32>,
      %swap3A_130 = vector.shape_cast %swap3A_129 : vector<1x16xf32> to vector<16xf32>
      %swap3A_131 = vector.shape_cast %mul3A_126 : vector<16xf32> to vector<1x16xf32>
      tpu.vector_store %arg10[%swap3A_127, %swap3A_128], %swap3A_131 {strides = array<i32>} : memref<128x128xf32, #tpu.memory_space<vmem>>, vector<1x16xf32>,
      %get3A_132 = arith.index_cast %scan3A_85 : i32 to index
      %get3A_133 = arith.constant 64 : index
      %get3A_134 = tpu.vector_load %arg7[%get3A_132, %get3A_133] {strides = array<i32>} : memref<128x128xf32, #tpu.memory_space<vmem>>, vector<1x16xf32>,
      %get3A_135 = vector.shape_cast %get3A_134 : vector<1x16xf32> to vector<16xf32>
      %mul3A_136 = arith.constant 11.3137083 : f32
      %mul3A_137 = vector.broadcast %mul3A_136 : f32 to vector<16xf32>
      %mul3A_138 = arith.mulf %get3A_135, %mul3A_137 : vector<16xf32>
      %swap3A_139 = arith.index_cast %scan3A_85 : i32 to index
      %swap3A_140 = arith.constant 64 : index
      %swap3A_141 = tpu.vector_load %arg10[%swap3A_139, %swap3A_140] {strides = array<i32>} : memref<128x128xf32, #tpu.memory_space<vmem>>, vector<1x16xf32>,
      %swap3A_142 = vector.shape_cast %swap3A_141 : vector<1x16xf32> to vector<16xf32>
      %swap3A_143 = vector.shape_cast %mul3A_138 : vector<16xf32> to vector<1x16xf32>
      tpu.vector_store %arg10[%swap3A_139, %swap3A_140], %swap3A_143 {strides = array<i32>} : memref<128x128xf32, #tpu.memory_space<vmem>>, vector<1x16xf32>,
      %get3A_144 = arith.index_cast %scan3A_85 : i32 to index
      %get3A_145 = arith.constant 80 : index
      %get3A_146 = tpu.vector_load %arg7[%get3A_144, %get3A_145] {strides = array<i32>} : memref<128x128xf32, #tpu.memory_space<vmem>>, vector<1x16xf32>,
      %get3A_147 = vector.shape_cast %get3A_146 : vector<1x16xf32> to vector<16xf32>
      %mul3A_148 = arith.constant 11.3137083 : f32
      %mul3A_149 = vector.broadcast %mul3A_148 : f32 to vector<16xf32>
      %mul3A_150 = arith.mulf %get3A_147, %mul3A_149 : vector<16xf32>
      %swap3A_151 = arith.index_cast %scan3A_85 : i32 to index
      %swap3A_152 = arith.constant 80 : index
      %swap3A_153 = tpu.vector_load %arg10[%swap3A_151, %swap3A_152] {strides = array<i32>} : memref<128x128xf32, #tpu.memory_space<vmem>>, vector<1x16xf32>,
      %swap3A_154 = vector.shape_cast %swap3A_153 : vector<1x16xf32> to vector<16xf32>
      %swap3A_155 = vector.shape_cast %mul3A_150 : vector<16xf32> to vector<1x16xf32>
      tpu.vector_store %arg10[%swap3A_151, %swap3A_152], %swap3A_155 {strides = array<i32>} : memref<128x128xf32, #tpu.memory_space<vmem>>, vector<1x16xf32>,
      %get3A_156 = arith.index_cast %scan3A_85 : i32 to index
      %get3A_157 = arith.constant 96 : index
      %get3A_158 = tpu.vector_load %arg7[%get3A_156, %get3A_157] {strides = array<i32>} : memref<128x128xf32, #tpu.memory_space<vmem>>, vector<1x16xf32>,
      %get3A_159 = vector.shape_cast %get3A_158 : vector<1x16xf32> to vector<16xf32>
      %mul3A_160 = arith.constant 11.3137083 : f32
      %mul3A_161 = vector.broadcast %mul3A_160 : f32 to vector<16xf32>
      %mul3A_162 = arith.mulf %get3A_159, %mul3A_161 : vector<16xf32>
      %swap3A_163 = arith.index_cast %scan3A_85 : i32 to index
      %swap3A_164 = arith.constant 96 : index
      %swap3A_165 = tpu.vector_load %arg10[%swap3A_163, %swap3A_164] {strides = array<i32>} : memref<128x128xf32, #tpu.memory_space<vmem>>, vector<1x16xf32>,
      %swap3A_166 = vector.shape_cast %swap3A_165 : vector<1x16xf32> to vector<16xf32>
      %swap3A_167 = vector.shape_cast %mul3A_162 : vector<16xf32> to vector<1x16xf32>
      tpu.vector_store %arg10[%swap3A_163, %swap3A_164], %swap3A_167 {strides = array<i32>} : memref<128x128xf32, #tpu.memory_space<vmem>>, vector<1x16xf32>,
      %get3A_168 = arith.index_cast %scan3A_85 : i32 to index
      %get3A_169 = arith.constant 112 : index
      %get3A_170 = tpu.vector_load %arg7[%get3A_168, %get3A_169] {strides = array<i32>} : memref<128x128xf32, #tpu.memory_space<vmem>>, vector<1x16xf32>,
      %get3A_171 = vector.shape_cast %get3A_170 : vector<1x16xf32> to vector<16xf32>
      %mul3A_172 = arith.constant 11.3137083 : f32
      %mul3A_173 = vector.broadcast %mul3A_172 : f32 to vector<16xf32>
      %mul3A_174 = arith.mulf %get3A_171, %mul3A_173 : vector<16xf32>
      %swap3A_175 = arith.index_cast %scan3A_85 : i32 to index
      %swap3A_176 = arith.constant 112 : index
      %swap3A_177 = tpu.vector_load %arg10[%swap3A_175, %swap3A_176] {strides = array<i32>} : memref<128x128xf32, #tpu.memory_space<vmem>>, vector<1x16xf32>,
      %swap3A_178 = vector.shape_cast %swap3A_177 : vector<1x16xf32> to vector<16xf32>
      %swap3A_179 = vector.shape_cast %mul3A_174 : vector<16xf32> to vector<1x16xf32>
      tpu.vector_store %arg10[%swap3A_175, %swap3A_176], %swap3A_179 {strides = array<i32>} : memref<128x128xf32, #tpu.memory_space<vmem>>, vector<1x16xf32>,
    }
    %scan3A_66 = arith.constant 128 : i32
    %add3A_67 = arith.constant 6272 : i32
    %add3A_68 = arith.addi %mul3A_2, %add3A_67 : i32
    %dma_start3A_69 = arith.constant 0 : i32
    %dma_start3A_70 = tpu.memref_slice %arg4[%add3A_68, %dma_start3A_69] : memref<204800x128xf32, #tpu.memory_space<hbm>> -> memref<128x128xf32, #tpu.memory_space<hbm>>
    %dma_start3A_71 = arith.constant 0 : i32
    %dma_start3A_72 = tpu.memref_slice %arg4[%add3A_68, %dma_start3A_71] : memref<204800x128xf32, #tpu.memory_space<hbm>> -> memref<128x128xf32, #tpu.memory_space<hbm>>
    tpu.enqueue_dma source(%arg10 : memref<128x128xf32, #tpu.memory_space<vmem>>) target(%dma_start3A_72 : memref<128x128xf32, #tpu.memory_space<hbm>>) target_semaphore(%arg16 : memref<!tpu.dma_semaphore, #tpu.memory_space<semaphore_mem>>)
    %dma_wait3A_73 = arith.constant 0 : i32
    %dma_wait3A_74 = tpu.memref_slice %arg4[%mul3A_2, %dma_wait3A_73] : memref<204800x128xf32, #tpu.memory_space<hbm>> -> memref<128x128xf32, #tpu.memory_space<hbm>>
    %dma_wait3A_75 = arith.constant 0 : i32
    %dma_wait3A_76 = tpu.memref_slice %arg4[%mul3A_2, %dma_wait3A_75] : memref<204800x128xf32, #tpu.memory_space<hbm>> -> memref<128x128xf32, #tpu.memory_space<hbm>>
    tpu.wait_dma2 semaphore(%arg15 : memref<!tpu.dma_semaphore, #tpu.memory_space<semaphore_mem>>) src(%arg9 : memref<128x128xf32, #tpu.memory_space<vmem>>) dst(%dma_wait3A_76 : memref<128x128xf32, #tpu.memory_space<hbm>>)
    %dma_wait3A_77 = arith.constant 0 : i32
    %dma_wait3A_78 = tpu.memref_slice %arg4[%mul3A_2, %dma_wait3A_77] : memref<204800x128xf32, #tpu.memory_space<hbm>> -> memref<128x128xf32, #tpu.memory_space<hbm>>
    %dma_wait3A_79 = arith.constant 0 : i32
    %dma_wait3A_80 = tpu.memref_slice %arg4[%mul3A_2, %dma_wait3A_79] : memref<204800x128xf32, #tpu.memory_space<hbm>> -> memref<128x128xf32, #tpu.memory_space<hbm>>
    tpu.wait_dma2 semaphore(%arg16 : memref<!tpu.dma_semaphore, #tpu.memory_space<semaphore_mem>>) src(%arg10 : memref<128x128xf32, #tpu.memory_space<vmem>>) dst(%dma_wait3A_80 : memref<128x128xf32, #tpu.memory_space<hbm>>)
    %dma_wait3A_81 = arith.constant 0 : i32
    %dma_wait3A_82 = tpu.memref_slice %arg4[%mul3A_2, %dma_wait3A_81] : memref<204800x128xf32, #tpu.memory_space<hbm>> -> memref<128x128xf32, #tpu.memory_space<hbm>>
    %dma_wait3A_83 = arith.constant 0 : i32
    %dma_wait3A_84 = tpu.memref_slice %arg4[%mul3A_2, %dma_wait3A_83] : memref<204800x128xf32, #tpu.memory_space<hbm>> -> memref<128x128xf32, #tpu.memory_space<hbm>>
    tpu.wait_dma2 semaphore(%arg17 : memref<!tpu.dma_semaphore, #tpu.memory_space<semaphore_mem>>) src(%arg11 : memref<128x128xf32, #tpu.memory_space<vmem>>) dst(%dma_wait3A_84 : memref<128x128xf32, #tpu.memory_space<hbm>>)
    return
  }
}

</mosaic_0001>

<sc_bundles>
// kernel: kernel.3.cloned.1.call-start
scs
__scs_entry_jumppad:
0x0: {  	(pc) =	sbr.rel $0x88, $3  }
0x1: {  	(tag) =	ssettag $0x0;
	lr =	simm.s32 $0x1  }
0x2: {  	[smem:$0x3F9F] =	sst lr;
	_ =	strace $0xD0000000  }
0x3: {  	_ = 	snop  }
0x4: {  	_ = 	snop  }
0x5: {  	_ = 	snop  }
0x6: {  	_ = 	snop  }
0x7: {  	_ = 	snop  }
__scs_overlays_trampoline_lowered:
0x8: {  	[smem:$0x3FAE] =	sst s0  }
0x9: {  	[smem:$0x3FAF] =	sst s1  }
0xa: {  	[smem:$0x3FB0] =	sst s2  }
0xb: {  	[smem:$0x3FB1] =	sst s3  }
0xc: {  	[smem:$0x3FB2] =	sst s4  }
0xd: {  	[smem:$0x3FB3] =	sst s5  }
0xe: {  	[smem:$0x3FB4] =	sst s6  }
0xf: {  	[smem:$0x3FB5] =	sst s7  }
0x10: {  	[smem:$0x3FB6] =	sst s8  }
0x11: {  	[smem:$0x3FB7] =	sst s9;
	s0 =	simm.s32 @!p0 $0x0  }
0x12: {  	s1 =	sld [smem:$0x3F9D];
	s0 =	simm.s32 @p0 $0x1  }
0x13: {  	[smem:$0x3FB8] =	sst s0;
	s0 =	simm.s32 @!p1 $0x0  }
0x14: {  	s2 =	sld [smem:$0x3F9C];
	s0 =	simm.s32 @p1 $0x1  }
0x15: {  	[smem:$0x3FB9] =	sst s0;
	s0 =	simm.s32 @!p2 $0x0  }
0x16: {  	s3 =	sld [smem:$0x3FDB];
	s0 =	simm.s32 @p2 $0x1  }
0x17: {  	s4 =	simm.s32 $0x1BF5;
	[smem:$0x3FBB] =	sst s0  }
0x18: {  	s0 =	sld [smem:$0x3F9E];
	_ =	swait.ge [sflag:s4], $0x0  }
0x19: {  	s7 =	sld [smem:$0x3F9F]  }
0x1a: {  	s8 =	sadd.s32 $0xFFFFE003, lr  }
0x1b: {  	s9 =	sadd.s32 $0xFFFFFEF7, lr;
	s5 =	simm.s32 $0xFFFFFFFF;
	p2 =	slt.u32 s8, $0xFFFFF086  }
0x1c: {  	p1 =	slt.u32 s9, $0xF7A;
	s5 =	simm.s32 @!p2 $0x0  }
0x1d: {  	s5 =	simm.s32 @p1 $0x1;
	p0 =	seq.s32 s7, s2  }
0x1e: {  	s7 =	smul.u32 @!p0 $0xF7A, s2;
	p2 =	seq.s32 @!p0 s5, $0x0  }
0x1f: {  	s9 =	smul.u32 $0xF7A, s1;
	s8 =	simm.s32 @!p0 $0x1BF5;
	p2 =	por !p2, p0  }
0x20: {  	[sflag:s8] =	ssyncset.s32 @!p0 $0xFFFFF086;
	s6 =	sadd.s32 @!p0 s3, s7;
	s7 =	simm.s32 @!p0 $0x108  }
0x21: {  	s3 =	sadd.s32 s3, s9;
	s6 =	sadd.s32 @!p0 $0x88, s6;
	s7 =	simm.s32 @p2 $0x1082  }
0x22: {  	[simem:s7], [sflag:s8] =	dma.local @!p0 [hbm:s6], $0xF7A  }
0x23: {  	s9 =	sor.u32 $0xD0000000, s2;
	s6 =	simm.s32 $0x108;
	_ =	swait.ge @!p0 [sflag:s8], $0x0  }
0x24: {  	s3 =	sadd.s32 $0x88, s3;
	s6 =	simm.s32 @!p1 $0x1082;
	[sflag:s4] =	ssyncset.s32 $0xFFFFF086  }
0x25: {  	[simem:s6], [sflag:s4] =	dma.local [hbm:s3], $0xF7A  }
0x26: {  	[smem:$0x3F9F] =	sst s1;
	(tag) =	ssettag s2;
	_ =	strace s9  }
0x27: {  	s1 =	sld [smem:$0x3FAF]  }
0x28: {  	s2 =	sld [smem:$0x3FB0]  }
0x29: {  	s4 =	sld [smem:$0x3FB2]  }
0x2a: {  	p0 =	seq.s32 s5, $0x0;
	s5 =	sld [smem:$0x3FB3]  }
0x2b: {  	s6 =	sld [smem:$0x3FB4]  }
0x2c: {  	s7 =	sld [smem:$0x3FB5]  }
0x2d: {  	s3 =	simm.s32 $0x108;
	s8 =	sld [smem:$0x3FB6]  }
0x2e: {  	s3 =	simm.s32 @!p0 $0x1082;
	s9 =	sld [smem:$0x3FB7]  }
0x2f: {  	lr =	sadd.s32 s0, s3;
	s0 =	sld [smem:$0x3FAE]  }
0x30: {  	s3 =	sld [smem:$0x3FB1]  }
0x31: {  	[smem:$0x3FBA] =	sst s10  }
0x32: {  	s10 =	sld [smem:$0x3FB8];
	_ =	sdelay $0x3  }
0x33: {  	p0 =	seq.s32 s10, $0x1;
	s10 =	sld [smem:$0x3FBA];
	_ =	sdelay $0x3  }
0x34: {  	[smem:$0x3FBA] =	sst s10  }
0x35: {  	s10 =	sld [smem:$0x3FB9];
	_ =	sdelay $0x3  }
0x36: {  	p1 =	seq.s32 s10, $0x1;
	s10 =	sld [smem:$0x3FBA];
	_ =	sdelay $0x3  }
0x37: {  	[smem:$0x3FBA] =	sst s10  }
0x38: {  	s10 =	sld [smem:$0x3FBB]  }
0x39: {  	_ = 	snop;
	(pc) =	sbr.ind lr, $3  }
0x3a: {  	_ = 	snop  }
0x3b: {  	_ = 	snop  }
0x3c: {  	p2 =	seq.s32 s10, $0x1;
	s10 =	sld [smem:$0x3FBA]  }
0x3d: {  	_ =	shalt  }
0x3e: {  	_ =	shalt  }
0x3f: {  	_ =	shalt  }
0x40: {  	_ =	shalt  }
0x41: {  	_ =	shalt  }
0x42: {  	_ =	shalt  }
0x43: {  	_ =	shalt  }
0x44: {  	_ =	shalt  }
0x45: {  	_ =	shalt  }
0x46: {  	_ =	shalt  }
0x47: {  	_ =	shalt  }
0x48: {  	_ =	shalt  }
0x49: {  	_ =	shalt  }
0x4a: {  	_ =	shalt  }
0x4b: {  	_ =	shalt  }
0x4c: {  	_ =	shalt  }
0x4d: {  	_ =	shalt  }
0x4e: {  	_ =	shalt  }
0x4f: {  	_ =	shalt  }
0x50: {  	_ =	shalt  }
0x51: {  	_ =	shalt  }
0x52: {  	_ =	shalt  }
0x53: {  	_ =	shalt  }
0x54: {  	_ =	shalt  }
0x55: {  	_ =	shalt  }
0x56: {  	_ =	shalt  }
0x57: {  	_ =	shalt  }
0x58: {  	_ =	shalt  }
0x59: {  	_ =	shalt  }
0x5a: {  	_ =	shalt  }
0x5b: {  	_ =	shalt  }
0x5c: {  	_ =	shalt  }
0x5d: {  	_ =	shalt  }
0x5e: {  	_ =	shalt  }
0x5f: {  	_ =	shalt  }
0x60: {  	_ =	shalt  }
0x61: {  	_ =	shalt  }
0x62: {  	_ =	shalt  }
0x63: {  	_ =	shalt  }
0x64: {  	_ =	shalt  }
0x65: {  	_ =	shalt  }
0x66: {  	_ =	shalt  }
0x67: {  	_ =	shalt  }
0x68: {  	_ =	shalt  }
0x69: {  	_ =	shalt  }
0x6a: {  	_ =	shalt  }
0x6b: {  	_ =	shalt  }
0x6c: {  	_ =	shalt  }
0x6d: {  	_ =	shalt  }
0x6e: {  	_ =	shalt  }
0x6f: {  	_ =	shalt  }
0x70: {  	_ =	shalt  }
0x71: {  	_ =	shalt  }
0x72: {  	_ =	shalt  }
0x73: {  	_ =	shalt  }
0x74: {  	_ =	shalt  }
0x75: {  	_ =	shalt  }
0x76: {  	_ =	shalt  }
0x77: {  	_ =	shalt  }
0x78: {  	_ =	shalt  }
0x79: {  	_ =	shalt  }
0x7a: {  	_ =	shalt  }
0x7b: {  	_ =	shalt  }
0x7c: {  	_ =	shalt  }
0x7d: {  	_ =	shalt  }
0x7e: {  	_ =	shalt  }
0x7f: {  	_ =	shalt  }
0x80: {  	_ =	shalt  }
0x81: {  	_ =	shalt  }
0x82: {  	_ =	shalt  }
0x83: {  	_ =	shalt  }
0x84: {  	_ =	shalt  }
0x85: {  	_ =	shalt  }
0x86: {  	_ =	shalt  }
0x87: {  	_ =	shalt  }
.Lfunc_end0:
.L_simem_size_0:
called_computation_lowered:
.L_overlay_start_0:
0x88: {  	s2 =	sld [smem:$0x3FD9]  }
0x89: {  	s3 =	sld [smem:$0x3FFE];
	_ =	sdelay $0x1  }
0x8a: {  	s1 =	srdreg.scid  }
0x8b: {  	s0 =	sand.u32 $0x1, s1  }
0x8c: {  	s17 =	sshll.u32 s0, $0xA;
	s2 =	sadd.s32 s3, s2  }
0x8d: {  	s2 =	sadd.s32 s2, s17  }
0x8e: {  	[smem:$0x3FC6] =	sst s2  }
0x8f: {  	_ = 	snop  }
0x90: {  	s2 =	sld [smem:$0x3FC8]  }
0x91: {  	s18 =	sld [smem:$0x3FD0];
	(tm) =	ssettm $0x1  }
0x92: {  	s4 =	sld [smem:$0x3FFB];
	_ =	sdelay $0x3  }
0x93: {  	_ =	strace s4  }
0x94: {  	s4 =	sld [smem:$0x3FFC];
	_ =	sdelay $0x3  }
0x95: {  	_ =	strace s4  }
0x96: {  	s4 =	sld [smem:$0x3FFD];
	_ =	sdelay $0x3  }
0x97: {  	_ =	strace s4  }
0x98: {  	_ =	strace $0x8FFFFFFF  }
0x99: {  	s19 =	sld [smem:$0x3FDB];
	_ =	sdelay $0x1  }
0x9a: {  	s5 =	simm.s32 $_scs_section_size  }
0x9b: {  	s6 =	simm.s32 $_size__tile_overlayer_lowered;
	s7 =	simm.s32 $_tile_overlayer_lowered  }
0x9c: {  	s22 =	simm.s32 $0x1BFF;
	s21 =	sshll.u32 s7, $0x1;
	s4 =	sadd.s32 s5, s19  }
0x9d: {  	s8 =	simm.s32 $0x0;
	s20 =	sshll.u32 s6, $0x1;
	s6 =	sadd.s32 s21, s4  }
0x9e: {  	[timem:s8], [sflag:s22] =	dma.local [hbm:s6], s20  }
0x9f: {  	_ =	swait.ge [sflag:s22], s20  }
0xa0: {  	s5 =	ssub.s32 $0x0, s20;
	[sflag:s22] =	ssyncset.done $0x0  }
0xa1: {  	[sflag:s22] =	ssyncadd.s32 s5;
	_ =	sdelay $0x1  }
0xa2: {  	s23 =	simm.s32 $0x1B8B  }
0xa3: {  	_ =	swait.ge [sflag:s23], $0x1  }
0xa4: {  	[sflag:s23] =	ssyncset.done $0x0  }
0xa5: {  	s25 =	simm.s32 $0x1B8E;
	s24 =	sld [smem:$0x3FFE];
	[sflag:s23] =	ssyncadd.s32 $0xFFFFFFFF  }
0xa6: {  	s26 =	simm.s32 $execute0_lowered;
	[smem:$0x3FD2] =	sst s25  }
0xa7: {  	s6 =	sshll.u32 s26, $0x1;
	_ =	strace $0x80000046;
	[dreg:$0x1] =	wrdreg $0xFFFFFFFF  }
0xa8: {  	s28 =	simm.s32 $_size_execute0_lowered;
	s4 =	sadd.s32 s4, s6;
	[dreg:$0x0] =	wrdreg $0x0  }
0xa9: {  	s6 =	sshll.u32 s28, $0x1;
	[dreg:$0x2] =	wrdreg s4  }
0xaa: {  	[dreg:$0x3] =	wrdreg s6  }
0xab: {  	[dreg:$0x4] =	wrdreg $0xC0  }
0xac: {  	_ =	task [dreg:s8], $0x5FFFF  }
0xad: {  	[dreg:$0x1] =	wrdreg $0xFFFFFFFF  }
0xae: {  	[dreg:$0x0] =	wrdreg $0x60  }
0xaf: {  	[dreg:$0x2] =	wrdreg s24  }
0xb0: {  	[dreg:$0x3] =	wrdreg s2  }
0xb1: {  	[dreg:$0x4] =	wrdreg s18  }
0xb2: {  	[dreg:$0x5] =	wrdreg $0x9  }
0xb3: {  	_ =	task.clear_ibuf [dreg:s8], $0x6FFFF;
	_ =	strace $0x90000046  }
0xb4: {  	s29 =	simm.s32 $0x9;
	_ =	strace $0x80000048  }
0xb5: {  	_ =	swait.ge [sflag:s29], $0x1  }
0xb6: {  	[sflag:s29] =	ssyncadd.s32 $0xFFFFFFFF  }
0xb7: {  	_ =	strace $0x90000048  }
0xb8: {  	_ =	sfence  }
0xb9: {  	s30 =	sld [smem:$0x0];
	_ =	sdelay $0x2  }
0xba: {  	s31 =	sshll.u32 s1, $0xD;
	s1 =	sshrl.u32 s1, $0x2  }
0xbb: {  	s3 =	sand.u32 $0x4000, s31;
	s1 =	sadd.s32 s1, s30  }
0xbc: {  	s0 =	sor.u32 s3, s0;
	s1 =	sshll.u32 s1, $0x11  }
0xbd: {  	s0 =	sor.u32 s1, s0  }
0xbe: {  	s0 =	sadd.s32 $0x8F2B, s0  }
0xbf: {  	[sflag:s0] =	ssyncadd.remote.s32 $0x1  }
0xc0: {  	_ =	sfence.sel $0xFFFF  }
0xc1: {  	[dreg:$0x0] =	wrdreg $0xFFFFFFFF;
	(pc) =	sbr.abs _section_cstart, $3  }
0xc2: {  	[dreg:$0x1] =	wrdreg $0xFFFFFFFF  }
0xc3: {  	_ =	task.clear_ibuf [dreg:s8], $0x2FFFF;
	_ =	strace $0x9FFFFFFF  }
0xc4: {  	(tm) =	ssettm $0x7FFFFFFF  }
0xc5: {  	_ =	shalt  }
tec
execute0_lowered:
.L_overlay_start_1:
0x0: {  	(tag) =	ssettag $0x1  }
0x1: {  	s0 =	rddreg [dreg:$0x0];
	s1 =	srdreg.scid  }
0x2: {  	s3 =	stileid.u32;
	s2 =	rddreg [dreg:$0x1];
	s12 =	simm.s32 $0x7  }
0x3: {  	s13 =	simm.s32 $0x80;
	s14 =	simm.s32 $0x1C00;
	s15 =	simm.s32 $0x5C00  }
0x4: {  	s17 =	simm.s32 $0x9C00;
	s18 =	simm.s32 $0x1;
	s19 =	simm.s32 $0xDC00  }
0x5: {  	s20 =	simm.s32 $0x2;
	s21 =	simm.s32 $0x11C00;
	s22 =	simm.s32 $0x3  }
0x6: {  	s23 =	simm.s32 $0x15C00;
	s24 =	simm.s32 $0x4;
	s25 =	simm.s32 $0x5  }
0x7: {  	s26 =	simm.s32 $0x6;
	s1 =	sand.u32 $0x1, s1;
	s4 =	sshll.u32 s3, $0x1  }
0x8: {  	s28 =	simm.s32 $0x0;
	s3 =	rddreg [dreg:$0x2];
	s6 =	sor.u32 s1, s4  }
0x9: {  	s4 =	simm.s32 $0x0;
	s1 =	ssub.s32 $0x2, s1;
	s5 =	smul.u32 $0x380, s6  }
0xa: {  	[smem:$0x7FF] =	sst s4;
	s8 =	smul.u32 $0xC8000, s6;
	s7 =	sshrl.u32 s1, $0x1  }
0xb: {  	s6 =	smul.u32 $0x1900, s6;
	_ =	strace $0x80000047;
	s1 =	ssub.s32 s1, s7  }
0xc: {  	s0 =	sadd.s32 s5, s0;
	s30 =	sshrl.u32 s8, $0x3;
	s7 =	sor.u32 $0x4000, s8  }
0xd: {  	s8 =	sadd.s32 $0x8000, s8;
	s11 =	smax.u32 s1, $0x1;
	s31 =	sadd.s32 s3, s30  }
0xe: {  	s5 =	sadd.s32 $0x400, s0;
	s9 =	sadd.s32 $0x18000, s31;
	s10 =	sadd.s32 $0x18800, s31  }
.LBB2_1:
0xf: {  	[tilespmem:s4], [sflag:$0x7] =	stream.linear.gather [hbm4b:s5+s4], $0x1900, $0x38;
	[tilespmem:$0x19C00] =	vst v63  }
0x10: {  	_ =	swait.ge [sflag:s12], $0x1900  }
0x11: {  	[sflag:s12] =	ssyncset.done $0x0  }
0x12: {  	[sflag:s12] =	ssyncadd.s32 $0xFFFFE700  }
0x13: {  	[tilespmem:s14], [sflag:$0x1] =	stream.indirect.gather [hbm4b:s2+s13], $0x80, s4, s13, $0xb8;
	[tilespmem:$0x19C00] =	vst v63  }
0x14: {  	_ = 	snop  }
0x15: {  	[tilespmem:s15], [sflag:$0x2] =	stream.indirect.gather [hbm4b:s2+s13], $0x80, s13, s13, $0xb8;
	[tilespmem:$0x19C00] =	vst v63  }
0x16: {  	s0 =	simm.s32 $0x100;
	s29 =	simm.s32 $0x0  }
0x17: {  	[tilespmem:s17], [sflag:$0x3] =	stream.indirect.gather [hbm4b:s2+s13], $0x80, s0, s13, $0xb8;
	[tilespmem:$0x19C00] =	vst v63  }
.LBB2_2:
0x18: {  	_ =	swait.ge [sflag:s18], $0x4000  }
0x19: {  	p0 =	seq.s32 s29, $0x0;
	[sflag:s18] =	ssyncset.done $0x0  }
0x1a: {  	s0 =	simm.s32 @!p0 $0x4;
	[sflag:s18] =	ssyncadd.s32 $0xFFFFC000  }
0x1b: {  	_ =	swait.ge @!p0 [sflag:s0], $0x4000  }
0x1c: {  	[sflag:s0] =	ssyncset.done @!p0 $0x0  }
0x1d: {  	s1 =	simm.s32 $0x0;
	[sflag:s0] =	ssyncadd.s32 @!p0 $0xFFFFC000  }
0x1e: {  	v1 =	vld [tilespmem:s1+$0x1C70]  }
0x1f: {  	v5 =	vld [tilespmem:s1+$0x1C00]  }
0x20: {  	v6 =	vld [tilespmem:s1+$0x1C10]  }
0x21: {  	v4 =	vld [tilespmem:s1+$0x1C20]  }
0x22: {  	v3 =	vld [tilespmem:s1+$0x1C30]  }
0x23: {  	v0 =	vld [tilespmem:s1+$0x1C40];
	v7 =	vmul.f32 $1.131370830e+01, v1  }
0x24: {  	v1 =	vld [tilespmem:s1+$0x1C50];
	v5 =	vmul.f32 $1.131370830e+01, v5  }
0x25: {  	s31 =	simm.s32 $0x80;
	s0 =	simm.s32 $0x400;
	v2 =	vld [tilespmem:s1+$0x1C60];
	v6 =	vmul.f32 $1.131370830e+01, v6;
	[tilespmem:s1+$0xDC70] =	vst v7  }
.LBB2_3:
0x26: {  	p1 =	sne.s32 s0, $0xFE00;
	v7 =	vld [tilespmem:s31+$0x1C70];
	[tilespmem:s1+$0xDC00] =	vst v5;
	v4 =	vmul.f32 $1.131370830e+01, v4  }
0x27: {  	v5 =	vld [tilespmem:s31+$0x1C00];
	[tilespmem:s1+$0xDC10] =	vst v6;
	v3 =	vmul.f32 $1.131370830e+01, v3  }
0x28: {  	v6 =	vld [tilespmem:s31+$0x1C10];
	[tilespmem:s1+$0xDC20] =	vst v4;
	v0 =	vmul.f32 $1.131370830e+01, v0  }
.Ltmp0:
0x29: {  	v4 =	vld [tilespmem:s31+$0x1C20];
	[tilespmem:s1+$0xDC30] =	vst v3;
	v1 =	vmul.f32 $1.131370830e+01, v1;
	(pc) =	sbr.rel @p1 .LBB2_3-.Ltmp0, $4  }
0x2a: {  	v3 =	vld [tilespmem:s31+$0x1C30];
	[tilespmem:s1+$0xDC40] =	vst v0;
	v2 =	vmul.f32 $1.131370830e+01, v2  }
0x2b: {  	v0 =	vld [tilespmem:s31+$0x1C40];
	v7 =	vmul.f32 $1.131370830e+01, v7;
	[tilespmem:s1+$0xDC50] =	vst v1  }
0x2c: {  	v5 =	vmul.f32 $1.131370830e+01, v5;
	v1 =	vld [tilespmem:s31+$0x1C50];
	[tilespmem:s1+$0xDC60] =	vst v2;
	s1 =	smov.u32 s31  }
0x2d: {  	s31 =	sshra.s32 s0, $0x2;
	s0 =	sadd.s32 $0x200, s0;
	v6 =	vmul.f32 $1.131370830e+01, v6;
	v2 =	vld [tilespmem:s1+$0x1C60];
	[tilespmem:s1+$0xDC70] =	vst v7  }
0x2e: {  	v7 =	vld [tilespmem:s31+$0x1C70];
	[tilespmem:s1+$0xDC00] =	vst v5;
	v4 =	vmul.f32 $1.131370830e+01, v4  }
0x2f: {  	v5 =	vld [tilespmem:s31+$0x1C00];
	[tilespmem:s1+$0xDC10] =	vst v6;
	v3 =	vmul.f32 $1.131370830e+01, v3  }
0x30: {  	v6 =	vld [tilespmem:s31+$0x1C10];
	[tilespmem:s1+$0xDC20] =	vst v4;
	v0 =	vmul.f32 $1.131370830e+01, v0  }
0x31: {  	v4 =	vld [tilespmem:s31+$0x1C20];
	[tilespmem:s1+$0xDC30] =	vst v3;
	v1 =	vmul.f32 $1.131370830e+01, v1  }
0x32: {  	v3 =	vld [tilespmem:s31+$0x1C30];
	[tilespmem:s1+$0xDC40] =	vst v0;
	v2 =	vmul.f32 $1.131370830e+01, v2  }
0x33: {  	v0 =	vld [tilespmem:s31+$0x1C40];
	[tilespmem:s1+$0xDC50] =	vst v1;
	v7 =	vmul.f32 $1.131370830e+01, v7  }
0x34: {  	v1 =	vld [tilespmem:s31+$0x1C50];
	[tilespmem:s1+$0xDC60] =	vst v2;
	v2 =	vmul.f32 $1.131370830e+01, v5  }
0x35: {  	v5 =	vld [tilespmem:s31+$0x1C60];
	v6 =	vmul.f32 $1.131370830e+01, v6;
	[tilespmem:s31+$0xDC70] =	vst v7  }
0x36: {  	[tilespmem:s31+$0xDC00] =	vst v2;
	v2 =	vmul.f32 $1.131370830e+01, v4  }
0x37: {  	[tilespmem:s31+$0xDC10] =	vst v6;
	v3 =	vmul.f32 $1.131370830e+01, v3  }
0x38: {  	[tilespmem:s31+$0xDC20] =	vst v2;
	v0 =	vmul.f32 $1.131370830e+01, v0  }
0x39: {  	s0 =	smul.u32 $0x600, s29;
	[tilespmem:s31+$0xDC30] =	vst v3;
	v1 =	vmul.f32 $1.131370830e+01, v1  }
0x3a: {  	s16 =	smul.u32 $0x180, s29;
	[tilespmem:s31+$0xDC40] =	vst v0;
	v0 =	vmul.f32 $1.131370830e+01, v5  }
0x3b: {  	s30 =	sshra.s32 s0, $0x2;
	[tilespmem:s31+$0xDC50] =	vst v1  }
0x3c: {  	s16 =	sadd.s32 s6, s16;
	s0 =	sadd.s32 $0x180, s30;
	[tilespmem:s31+$0xDC60] =	vst v0  }
0x3d: {  	[tilespmem:s14], [sflag:$0x1] =	stream.indirect.gather [hbm4b:s2+s13], $0x80, s0, s13, $0xb8;
	[tilespmem:$0x19C00] =	vst v63  }
0x3e: {  	s0 =	sshll.u32 s16, $0x4  }
0x3f: {  	s0 =	sadd.s32 s3, s0  }
0x40: {  	[hbm4b:s0+s4] =	stream.linear.scatter [tilespmem:s19], [sflag:$0x4], $0x4000, $0x38;
	[tilespmem:$0x19C00] =	vst v63  }
0x41: {  	_ =	swait.ge [sflag:s20], $0x4000  }
0x42: {  	[sflag:s20] =	ssyncset.done $0x0  }
0x43: {  	s0 =	simm.s32 @!p0 $0x5;
	[sflag:s20] =	ssyncadd.s32 $0xFFFFC000  }
0x44: {  	_ =	swait.ge @!p0 [sflag:s0], $0x4000  }
0x45: {  	[sflag:s0] =	ssyncset.done @!p0 $0x0  }
0x46: {  	s31 =	simm.s32 $0x0;
	[sflag:s0] =	ssyncadd.s32 @!p0 $0xFFFFC000  }
0x47: {  	v1 =	vld [tilespmem:s31+$0x5C70]  }
0x48: {  	v5 =	vld [tilespmem:s31+$0x5C00]  }
0x49: {  	v6 =	vld [tilespmem:s31+$0x5C10]  }
0x4a: {  	v4 =	vld [tilespmem:s31+$0x5C20]  }
0x4b: {  	v3 =	vld [tilespmem:s31+$0x5C30]  }
0x4c: {  	v0 =	vld [tilespmem:s31+$0x5C40];
	v7 =	vmul.f32 $1.131370830e+01, v1  }
0x4d: {  	v1 =	vld [tilespmem:s31+$0x5C50];
	v5 =	vmul.f32 $1.131370830e+01, v5  }
0x4e: {  	s1 =	simm.s32 $0x80;
	s0 =	simm.s32 $0x400;
	v2 =	vld [tilespmem:s31+$0x5C60];
	v6 =	vmul.f32 $1.131370830e+01, v6;
	[tilespmem:s31+$0x11C70] =	vst v7  }
.LBB2_5:
0x4f: {  	p1 =	sne.s32 s0, $0xFE00;
	v7 =	vld [tilespmem:s1+$0x5C70];
	[tilespmem:s31+$0x11C00] =	vst v5;
	v4 =	vmul.f32 $1.131370830e+01, v4  }
0x50: {  	v5 =	vld [tilespmem:s1+$0x5C00];
	[tilespmem:s31+$0x11C10] =	vst v6;
	v3 =	vmul.f32 $1.131370830e+01, v3  }
0x51: {  	v6 =	vld [tilespmem:s1+$0x5C10];
	[tilespmem:s31+$0x11C20] =	vst v4;
	v0 =	vmul.f32 $1.131370830e+01, v0  }
.Ltmp1:
0x52: {  	v4 =	vld [tilespmem:s1+$0x5C20];
	[tilespmem:s31+$0x11C30] =	vst v3;
	v1 =	vmul.f32 $1.131370830e+01, v1;
	(pc) =	sbr.rel @p1 .LBB2_5-.Ltmp1, $4  }
0x53: {  	v3 =	vld [tilespmem:s1+$0x5C30];
	[tilespmem:s31+$0x11C40] =	vst v0;
	v2 =	vmul.f32 $1.131370830e+01, v2  }
0x54: {  	v0 =	vld [tilespmem:s1+$0x5C40];
	v7 =	vmul.f32 $1.131370830e+01, v7;
	[tilespmem:s31+$0x11C50] =	vst v1  }
0x55: {  	v5 =	vmul.f32 $1.131370830e+01, v5;
	v1 =	vld [tilespmem:s1+$0x5C50];
	[tilespmem:s31+$0x11C60] =	vst v2;
	s31 =	smov.u32 s1  }
0x56: {  	s1 =	sshra.s32 s0, $0x2;
	s0 =	sadd.s32 $0x200, s0;
	v6 =	vmul.f32 $1.131370830e+01, v6;
	v2 =	vld [tilespmem:s31+$0x5C60];
	[tilespmem:s31+$0x11C70] =	vst v7  }
0x57: {  	v7 =	vld [tilespmem:s1+$0x5C70];
	[tilespmem:s31+$0x11C00] =	vst v5;
	v4 =	vmul.f32 $1.131370830e+01, v4  }
0x58: {  	v5 =	vld [tilespmem:s1+$0x5C00];
	[tilespmem:s31+$0x11C10] =	vst v6;
	v3 =	vmul.f32 $1.131370830e+01, v3  }
0x59: {  	v6 =	vld [tilespmem:s1+$0x5C10];
	[tilespmem:s31+$0x11C20] =	vst v4;
	v0 =	vmul.f32 $1.131370830e+01, v0  }
0x5a: {  	v4 =	vld [tilespmem:s1+$0x5C20];
	[tilespmem:s31+$0x11C30] =	vst v3;
	v1 =	vmul.f32 $1.131370830e+01, v1  }
0x5b: {  	v3 =	vld [tilespmem:s1+$0x5C30];
	[tilespmem:s31+$0x11C40] =	vst v0;
	v2 =	vmul.f32 $1.131370830e+01, v2  }
0x5c: {  	v0 =	vld [tilespmem:s1+$0x5C40];
	[tilespmem:s31+$0x11C50] =	vst v1;
	v7 =	vmul.f32 $1.131370830e+01, v7  }
0x5d: {  	v1 =	vld [tilespmem:s1+$0x5C50];
	[tilespmem:s31+$0x11C60] =	vst v2;
	v2 =	vmul.f32 $1.131370830e+01, v5  }
0x5e: {  	v5 =	vld [tilespmem:s1+$0x5C60];
	v6 =	vmul.f32 $1.131370830e+01, v6;
	[tilespmem:s1+$0x11C70] =	vst v7  }
0x5f: {  	[tilespmem:s1+$0x11C00] =	vst v2;
	v2 =	vmul.f32 $1.131370830e+01, v4  }
0x60: {  	[tilespmem:s1+$0x11C10] =	vst v6;
	v3 =	vmul.f32 $1.131370830e+01, v3  }
0x61: {  	[tilespmem:s1+$0x11C20] =	vst v2;
	v0 =	vmul.f32 $1.131370830e+01, v0  }
0x62: {  	[tilespmem:s1+$0x11C30] =	vst v3;
	v1 =	vmul.f32 $1.131370830e+01, v1  }
0x63: {  	s31 =	smul.u32 $0xC000, s29;
	[tilespmem:s1+$0x11C40] =	vst v0;
	v0 =	vmul.f32 $1.131370830e+01, v5  }
0x64: {  	[tilespmem:s1+$0x11C50] =	vst v1  }
0x65: {  	s0 =	sadd.s32 $0x200, s30;
	s16 =	sadd.s32 s7, s31;
	[tilespmem:s1+$0x11C60] =	vst v0  }
0x66: {  	[tilespmem:s15], [sflag:$0x2] =	stream.indirect.gather [hbm4b:s2+s13], $0x80, s0, s13, $0xb8;
	[tilespmem:$0x19C00] =	vst v63  }
0x67: {  	s0 =	sshrl.u32 s16, $0x3  }
0x68: {  	s0 =	sadd.s32 s3, s0  }
0x69: {  	[hbm4b:s0+s4] =	stream.linear.scatter [tilespmem:s21], [sflag:$0x5], $0x4000, $0x38;
	[tilespmem:$0x19C00] =	vst v63  }
0x6a: {  	_ =	swait.ge [sflag:s22], $0x4000  }
0x6b: {  	[sflag:s22] =	ssyncset.done $0x0  }
0x6c: {  	s0 =	simm.s32 @!p0 $0x6;
	[sflag:s22] =	ssyncadd.s32 $0xFFFFC000  }
0x6d: {  	_ =	swait.ge @!p0 [sflag:s0], $0x4000  }
0x6e: {  	[sflag:s0] =	ssyncset.done @!p0 $0x0  }
0x6f: {  	[sflag:s0] =	ssyncadd.s32 @!p0 $0xFFFFC000;
	s0 =	simm.s32 $0x0  }
0x70: {  	v1 =	vld [tilespmem:s0+$0x9C70]  }
0x71: {  	v5 =	vld [tilespmem:s0+$0x9C00]  }
0x72: {  	v6 =	vld [tilespmem:s0+$0x9C10]  }
0x73: {  	v4 =	vld [tilespmem:s0+$0x9C20]  }
0x74: {  	v3 =	vld [tilespmem:s0+$0x9C30]  }
0x75: {  	v0 =	vld [tilespmem:s0+$0x9C40];
	v7 =	vmul.f32 $1.131370830e+01, v1  }
0x76: {  	v1 =	vld [tilespmem:s0+$0x9C50];
	v5 =	vmul.f32 $1.131370830e+01, v5  }
0x77: {  	s1 =	simm.s32 $0x80;
	s16 =	simm.s32 $0x400;
	v2 =	vld [tilespmem:s0+$0x9C60];
	v6 =	vmul.f32 $1.131370830e+01, v6;
	[tilespmem:s0+$0x15C70] =	vst v7  }
.LBB2_7:
0x78: {  	p0 =	sne.s32 s16, $0xFE00;
	v7 =	vld [tilespmem:s1+$0x9C70];
	[tilespmem:s0+$0x15C00] =	vst v5;
	v4 =	vmul.f32 $1.131370830e+01, v4  }
0x79: {  	v5 =	vld [tilespmem:s1+$0x9C00];
	[tilespmem:s0+$0x15C10] =	vst v6;
	v3 =	vmul.f32 $1.131370830e+01, v3  }
0x7a: {  	v6 =	vld [tilespmem:s1+$0x9C10];
	[tilespmem:s0+$0x15C20] =	vst v4;
	v0 =	vmul.f32 $1.131370830e+01, v0  }
.Ltmp2:
0x7b: {  	v4 =	vld [tilespmem:s1+$0x9C20];
	[tilespmem:s0+$0x15C30] =	vst v3;
	v1 =	vmul.f32 $1.131370830e+01, v1;
	(pc) =	sbr.rel @p0 .LBB2_7-.Ltmp2, $4  }
0x7c: {  	v3 =	vld [tilespmem:s1+$0x9C30];
	[tilespmem:s0+$0x15C40] =	vst v0;
	v2 =	vmul.f32 $1.131370830e+01, v2  }
0x7d: {  	v0 =	vld [tilespmem:s1+$0x9C40];
	v7 =	vmul.f32 $1.131370830e+01, v7;
	[tilespmem:s0+$0x15C50] =	vst v1  }
0x7e: {  	v5 =	vmul.f32 $1.131370830e+01, v5;
	v1 =	vld [tilespmem:s1+$0x9C50];
	[tilespmem:s0+$0x15C60] =	vst v2;
	s0 =	smov.u32 s1  }
0x7f: {  	s1 =	sshra.s32 s16, $0x2;
	s16 =	sadd.s32 $0x200, s16;
	v6 =	vmul.f32 $1.131370830e+01, v6;
	v2 =	vld [tilespmem:s0+$0x9C60];
	[tilespmem:s0+$0x15C70] =	vst v7  }
0x80: {  	v7 =	vld [tilespmem:s1+$0x9C70];
	[tilespmem:s0+$0x15C00] =	vst v5;
	v4 =	vmul.f32 $1.131370830e+01, v4  }
0x81: {  	v5 =	vld [tilespmem:s1+$0x9C00];
	[tilespmem:s0+$0x15C10] =	vst v6;
	v3 =	vmul.f32 $1.131370830e+01, v3  }
0x82: {  	v6 =	vld [tilespmem:s1+$0x9C10];
	[tilespmem:s0+$0x15C20] =	vst v4;
	v0 =	vmul.f32 $1.131370830e+01, v0  }
0x83: {  	v4 =	vld [tilespmem:s1+$0x9C20];
	[tilespmem:s0+$0x15C30] =	vst v3;
	v1 =	vmul.f32 $1.131370830e+01, v1  }
0x84: {  	v3 =	vld [tilespmem:s1+$0x9C30];
	[tilespmem:s0+$0x15C40] =	vst v0;
	v2 =	vmul.f32 $1.131370830e+01, v2  }
0x85: {  	v0 =	vld [tilespmem:s1+$0x9C40];
	[tilespmem:s0+$0x15C50] =	vst v1;
	v7 =	vmul.f32 $1.131370830e+01, v7  }
0x86: {  	v1 =	vld [tilespmem:s1+$0x9C50];
	[tilespmem:s0+$0x15C60] =	vst v2;
	v60 =	vmul.f32 $1.131370830e+01, v5  }
0x87: {  	v61 =	vld [tilespmem:s1+$0x9C60];
	v6 =	vmul.f32 $1.131370830e+01, v6;
	[tilespmem:s1+$0x15C70] =	vst v7  }
0x88: {  	[tilespmem:s1+$0x15C00] =	vst v60;
	v62 =	vmul.f32 $1.131370830e+01, v4  }
0x89: {  	[tilespmem:s1+$0x15C10] =	vst v6;
	v3 =	vmul.f32 $1.131370830e+01, v3  }
0x8a: {  	[tilespmem:s1+$0x15C20] =	vst v62;
	v0 =	vmul.f32 $1.131370830e+01, v0  }
0x8b: {  	[tilespmem:s1+$0x15C30] =	vst v3;
	v1 =	vmul.f32 $1.131370830e+01, v1  }
0x8c: {  	[tilespmem:s1+$0x15C40] =	vst v0;
	v63 =	vmul.f32 $1.131370830e+01, v61  }
0x8d: {  	p0 =	seq.s32 s29, $0xF;
	s29 =	sadd.s32 $0x1, s29;
	[tilespmem:s1+$0x15C50] =	vst v1  }
0x8e: {  	s16 =	simm.s32 @!p0 $0x9C00;
	s0 =	sadd.s32 @!p0 $0x280, s30;
	[tilespmem:s1+$0x15C60] =	vst v63;
	s1 =	simm.s32 @!p0 $0x80  }
0x8f: {  	[tilespmem:s16], [sflag:$0x3] =	stream.indirect.gather @!p0 [hbm4b:s2+s1], $0x80, s0, s1, $0xb8;
	[tilespmem:$0x19C00] =	vst v63  }
0x90: {  	p0 =	sne.s32 s29, $0x10  }
.Ltmp3:
0x91: {  	_ = 	snop;
	(pc) =	sbr.rel @p0 .LBB2_2-.Ltmp3, $4  }
0x92: {  	s31 =	sadd.s32 s8, s31  }
0x93: {  	s0 =	sshrl.u32 s31, $0x3  }
0x94: {  	s0 =	sadd.s32 s3, s0  }
0x95: {  	[hbm4b:s0+s4] =	stream.linear.scatter [tilespmem:s23], [sflag:$0x6], $0x4000, $0x38;
	[tilespmem:$0x19C00] =	vst v63  }
0x96: {  	_ =	swait.ge [sflag:s18], $0x4000  }
0x97: {  	[sflag:s18] =	ssyncset.done $0x0  }
0x98: {  	[sflag:s18] =	ssyncadd.s32 $0xFFFFC000  }
0x99: {  	_ =	swait.ge [sflag:s24], $0x4000  }
0x9a: {  	[sflag:s24] =	ssyncset.done $0x0  }
0x9b: {  	s0 =	simm.s32 $0x0;
	[sflag:s24] =	ssyncadd.s32 $0xFFFFC000  }
0x9c: {  	v1 =	vld [tilespmem:s0+$0x1C70]  }
0x9d: {  	v5 =	vld [tilespmem:s0+$0x1C00]  }
0x9e: {  	v6 =	vld [tilespmem:s0+$0x1C10]  }
0x9f: {  	v4 =	vld [tilespmem:s0+$0x1C20]  }
0xa0: {  	v3 =	vld [tilespmem:s0+$0x1C30]  }
0xa1: {  	v0 =	vld [tilespmem:s0+$0x1C40];
	v7 =	vmul.f32 $1.131370830e+01, v1  }
0xa2: {  	v1 =	vld [tilespmem:s0+$0x1C50];
	v5 =	vmul.f32 $1.131370830e+01, v5  }
0xa3: {  	s1 =	simm.s32 $0x80;
	s16 =	simm.s32 $0x400;
	v2 =	vld [tilespmem:s0+$0x1C60];
	v6 =	vmul.f32 $1.131370830e+01, v6;
	[tilespmem:s0+$0xDC70] =	vst v7  }
.LBB2_10:
0xa4: {  	p0 =	sne.s32 s16, $0xFE00;
	v7 =	vld [tilespmem:s1+$0x1C70];
	[tilespmem:s0+$0xDC00] =	vst v5;
	v4 =	vmul.f32 $1.131370830e+01, v4  }
0xa5: {  	v5 =	vld [tilespmem:s1+$0x1C00];
	[tilespmem:s0+$0xDC10] =	vst v6;
	v3 =	vmul.f32 $1.131370830e+01, v3  }
0xa6: {  	v6 =	vld [tilespmem:s1+$0x1C10];
	[tilespmem:s0+$0xDC20] =	vst v4;
	v0 =	vmul.f32 $1.131370830e+01, v0  }
.Ltmp4:
0xa7: {  	v4 =	vld [tilespmem:s1+$0x1C20];
	[tilespmem:s0+$0xDC30] =	vst v3;
	v1 =	vmul.f32 $1.131370830e+01, v1;
	(pc) =	sbr.rel @p0 .LBB2_10-.Ltmp4, $4  }
0xa8: {  	v3 =	vld [tilespmem:s1+$0x1C30];
	[tilespmem:s0+$0xDC40] =	vst v0;
	v2 =	vmul.f32 $1.131370830e+01, v2  }
0xa9: {  	v0 =	vld [tilespmem:s1+$0x1C40];
	v7 =	vmul.f32 $1.131370830e+01, v7;
	[tilespmem:s0+$0xDC50] =	vst v1  }
0xaa: {  	v5 =	vmul.f32 $1.131370830e+01, v5;
	v1 =	vld [tilespmem:s1+$0x1C50];
	[tilespmem:s0+$0xDC60] =	vst v2;
	s0 =	smov.u32 s1  }
0xab: {  	s1 =	sshra.s32 s16, $0x2;
	s16 =	sadd.s32 $0x200, s16;
	v6 =	vmul.f32 $1.131370830e+01, v6;
	v2 =	vld [tilespmem:s0+$0x1C60];
	[tilespmem:s0+$0xDC70] =	vst v7  }
0xac: {  	v7 =	vld [tilespmem:s1+$0x1C70];
	[tilespmem:s0+$0xDC00] =	vst v5;
	v4 =	vmul.f32 $1.131370830e+01, v4  }
0xad: {  	v5 =	vld [tilespmem:s1+$0x1C00];
	[tilespmem:s0+$0xDC10] =	vst v6;
	v3 =	vmul.f32 $1.131370830e+01, v3  }
0xae: {  	v6 =	vld [tilespmem:s1+$0x1C10];
	[tilespmem:s0+$0xDC20] =	vst v4;
	v0 =	vmul.f32 $1.131370830e+01, v0  }
0xaf: {  	v4 =	vld [tilespmem:s1+$0x1C20];
	[tilespmem:s0+$0xDC30] =	vst v3;
	v1 =	vmul.f32 $1.131370830e+01, v1  }
0xb0: {  	v3 =	vld [tilespmem:s1+$0x1C30];
	[tilespmem:s0+$0xDC40] =	vst v0;
	v2 =	vmul.f32 $1.131370830e+01, v2  }
0xb1: {  	v0 =	vld [tilespmem:s1+$0x1C40];
	[tilespmem:s0+$0xDC50] =	vst v1;
	v7 =	vmul.f32 $1.131370830e+01, v7  }
0xb2: {  	v1 =	vld [tilespmem:s1+$0x1C50];
	[tilespmem:s0+$0xDC60] =	vst v2;
	v2 =	vmul.f32 $1.131370830e+01, v5  }
0xb3: {  	v5 =	vld [tilespmem:s1+$0x1C60];
	v6 =	vmul.f32 $1.131370830e+01, v6;
	[tilespmem:s1+$0xDC70] =	vst v7  }
0xb4: {  	[tilespmem:s1+$0xDC00] =	vst v2;
	v2 =	vmul.f32 $1.131370830e+01, v4  }
0xb5: {  	[tilespmem:s1+$0xDC10] =	vst v6;
	v3 =	vmul.f32 $1.131370830e+01, v3  }
0xb6: {  	[tilespmem:s1+$0xDC20] =	vst v2;
	v0 =	vmul.f32 $1.131370830e+01, v0  }
0xb7: {  	[tilespmem:s1+$0xDC30] =	vst v3;
	v1 =	vmul.f32 $1.131370830e+01, v1  }
0xb8: {  	[tilespmem:s1+$0xDC40] =	vst v0;
	v0 =	vmul.f32 $1.131370830e+01, v5  }
0xb9: {  	[tilespmem:s1+$0xDC50] =	vst v1  }
0xba: {  	s31 =	simm.s32 $0x0;
	[tilespmem:s1+$0xDC60] =	vst v0  }
0xbb: {  	[hbm4b:s9+s31] =	stream.linear.scatter [tilespmem:s19], [sflag:$0x4], $0x4000, $0x38;
	[tilespmem:$0x19C00] =	vst v63  }
0xbc: {  	_ =	swait.ge [sflag:s20], $0x4000  }
0xbd: {  	[sflag:s20] =	ssyncset.done $0x0  }
0xbe: {  	[sflag:s20] =	ssyncadd.s32 $0xFFFFC000  }
0xbf: {  	_ =	swait.ge [sflag:s25], $0x4000  }
0xc0: {  	[sflag:s25] =	ssyncset.done $0x0  }
0xc1: {  	s0 =	simm.s32 $0x0;
	[sflag:s25] =	ssyncadd.s32 $0xFFFFC000  }
0xc2: {  	v1 =	vld [tilespmem:s0+$0x5C70]  }
0xc3: {  	v5 =	vld [tilespmem:s0+$0x5C00]  }
0xc4: {  	v6 =	vld [tilespmem:s0+$0x5C10]  }
0xc5: {  	v4 =	vld [tilespmem:s0+$0x5C20]  }
0xc6: {  	v3 =	vld [tilespmem:s0+$0x5C30]  }
0xc7: {  	v0 =	vld [tilespmem:s0+$0x5C40];
	v7 =	vmul.f32 $1.131370830e+01, v1  }
0xc8: {  	v1 =	vld [tilespmem:s0+$0x5C50];
	v5 =	vmul.f32 $1.131370830e+01, v5  }
0xc9: {  	s16 =	simm.s32 $0x400;
	s1 =	simm.s32 $0x80;
	v2 =	vld [tilespmem:s0+$0x5C60];
	v6 =	vmul.f32 $1.131370830e+01, v6;
	[tilespmem:s0+$0x11C70] =	vst v7  }
.LBB2_12:
0xca: {  	p0 =	sne.s32 s16, $0xFE00;
	v7 =	vld [tilespmem:s1+$0x5C70];
	[tilespmem:s0+$0x11C00] =	vst v5;
	v4 =	vmul.f32 $1.131370830e+01, v4  }
0xcb: {  	v5 =	vld [tilespmem:s1+$0x5C00];
	[tilespmem:s0+$0x11C10] =	vst v6;
	v3 =	vmul.f32 $1.131370830e+01, v3  }
0xcc: {  	v6 =	vld [tilespmem:s1+$0x5C10];
	[tilespmem:s0+$0x11C20] =	vst v4;
	v0 =	vmul.f32 $1.131370830e+01, v0  }
.Ltmp5:
0xcd: {  	v4 =	vld [tilespmem:s1+$0x5C20];
	[tilespmem:s0+$0x11C30] =	vst v3;
	v1 =	vmul.f32 $1.131370830e+01, v1;
	(pc) =	sbr.rel @p0 .LBB2_12-.Ltmp5, $4  }
0xce: {  	v3 =	vld [tilespmem:s1+$0x5C30];
	[tilespmem:s0+$0x11C40] =	vst v0;
	v2 =	vmul.f32 $1.131370830e+01, v2  }
0xcf: {  	v0 =	vld [tilespmem:s1+$0x5C40];
	v7 =	vmul.f32 $1.131370830e+01, v7;
	[tilespmem:s0+$0x11C50] =	vst v1  }
0xd0: {  	v5 =	vmul.f32 $1.131370830e+01, v5;
	v1 =	vld [tilespmem:s1+$0x5C50];
	[tilespmem:s0+$0x11C60] =	vst v2;
	s0 =	smov.u32 s1  }
0xd1: {  	s1 =	sshra.s32 s16, $0x2;
	s16 =	sadd.s32 $0x200, s16;
	v6 =	vmul.f32 $1.131370830e+01, v6;
	v2 =	vld [tilespmem:s0+$0x5C60];
	[tilespmem:s0+$0x11C70] =	vst v7  }
0xd2: {  	v7 =	vld [tilespmem:s1+$0x5C70];
	[tilespmem:s0+$0x11C00] =	vst v5;
	v4 =	vmul.f32 $1.131370830e+01, v4  }
0xd3: {  	v5 =	vld [tilespmem:s1+$0x5C00];
	[tilespmem:s0+$0x11C10] =	vst v6;
	v3 =	vmul.f32 $1.131370830e+01, v3  }
0xd4: {  	v6 =	vld [tilespmem:s1+$0x5C10];
	[tilespmem:s0+$0x11C20] =	vst v4;
	v0 =	vmul.f32 $1.131370830e+01, v0  }
0xd5: {  	v4 =	vld [tilespmem:s1+$0x5C20];
	[tilespmem:s0+$0x11C30] =	vst v3;
	v1 =	vmul.f32 $1.131370830e+01, v1  }
0xd6: {  	v3 =	vld [tilespmem:s1+$0x5C30];
	[tilespmem:s0+$0x11C40] =	vst v0;
	v2 =	vmul.f32 $1.131370830e+01, v2  }
0xd7: {  	v0 =	vld [tilespmem:s1+$0x5C40];
	[tilespmem:s0+$0x11C50] =	vst v1;
	v7 =	vmul.f32 $1.131370830e+01, v7  }
0xd8: {  	v1 =	vld [tilespmem:s1+$0x5C50];
	[tilespmem:s0+$0x11C60] =	vst v2;
	v60 =	vmul.f32 $1.131370830e+01, v5  }
0xd9: {  	v61 =	vld [tilespmem:s1+$0x5C60];
	v6 =	vmul.f32 $1.131370830e+01, v6;
	[tilespmem:s1+$0x11C70] =	vst v7  }
0xda: {  	[tilespmem:s1+$0x11C00] =	vst v60;
	v62 =	vmul.f32 $1.131370830e+01, v4  }
0xdb: {  	[tilespmem:s1+$0x11C10] =	vst v6;
	v3 =	vmul.f32 $1.131370830e+01, v3  }
0xdc: {  	[tilespmem:s1+$0x11C20] =	vst v62;
	v0 =	vmul.f32 $1.131370830e+01, v0  }
0xdd: {  	[tilespmem:s1+$0x11C30] =	vst v3;
	v1 =	vmul.f32 $1.131370830e+01, v1  }
0xde: {  	[tilespmem:s1+$0x11C40] =	vst v0;
	v63 =	vmul.f32 $1.131370830e+01, v61  }
0xdf: {  	[tilespmem:s1+$0x11C50] =	vst v1  }
0xe0: {  	[tilespmem:s1+$0x11C60] =	vst v63  }
0xe1: {  	[hbm4b:s10+s4] =	stream.linear.scatter [tilespmem:s21], [sflag:$0x5], $0x4000, $0x38;
	[tilespmem:$0x19C00] =	vst v63  }
0xe2: {  	_ =	swait.ge [sflag:s24], $0x4000  }
0xe3: {  	[sflag:s24] =	ssyncset.done $0x0  }
0xe4: {  	s28 =	sadd.s32 $0x1, s28;
	[sflag:s24] =	ssyncadd.s32 $0xFFFFC000  }
0xe5: {  	p0 =	sne.s32 s28, s11;
	_ =	swait.ge [sflag:s25], $0x4000  }
.Ltmp6:
0xe6: {  	[sflag:s25] =	ssyncset.done $0x0;
	(pc) =	sbr.rel @p0 .LBB2_1-.Ltmp6, $4  }
0xe7: {  	[sflag:s25] =	ssyncadd.s32 $0xFFFFC000  }
0xe8: {  	_ =	swait.ge [sflag:s26], $0x4000  }
0xe9: {  	[sflag:s26] =	ssyncset.done $0x0  }
0xea: {  	[sflag:s26] =	ssyncadd.s32 $0xFFFFC000  }
0xeb: {  	_ =	sfence.sel $0x180000  }
0xec: {  	[bflag:$0x0] =	sbarrier.arrive $0xFFFF  }
0xed: {  	_ =	strace $0x90000047  }
0xee: {  	s0 =	stileid.u32;
	[bflag:$0x2] =	sbarrier.arrive $0xFFFF  }
0xef: {  	p0 =	sne.s32 s0, $0x0;
	s0 =	rddreg [dreg:$0x3]  }
0xf0: {  	s0 =	sadd.s32 @!p0 $0x100000, s0  }
0xf1: {  	[sflag:s0] =	ssyncadd.tile.s32 @!p0 $0x1;
	_ =	shalt  }
.Lfunc_end2:
_tile_overlayer_lowered:
.L_overlay_start_2:
0xf2: {  	(tag) =	ssettag $0x2  }
0xf3: {  	s0 =	rddreg [dreg:$0x0];
	s2 =	stileid.u32  }
0xf4: {  	s1 =	rddreg [dreg:$0x1];
	p0 =	sne.s32 s2, $0x0  }
0xf5: {  	s3 =	rddreg [dreg:$0x2];
	[bflag:$0x3] =	sbarrier.arrive $0xFFFF;
	s2 =	simm.s32 @!p0 $0x1C07  }
0xf6: {  	[timem:s3], [sflag:s2] =	dma.local @!p0 [hbm:s0], s1  }
0xf7: {  	s0 =	simm.s32 @!p0 $0x7  }
0xf8: {  	_ =	swait.ge @!p0 [sflag:s0], s1  }
0xf9: {  	s1 =	ssub.s32 @!p0 $0x0, s1;
	[sflag:s0] =	ssyncset.done @!p0 $0x0  }
0xfa: {  	[sflag:s0] =	ssyncadd.s32 @!p0 s1  }
0xfb: {  	[bflag:$0x3] =	sbarrier.arrive $0xFFFF  }
0xfc: {  	_ =	shalt  }

</sc_bundles>
